<compile_context>
chip_gen: v7x
topology: tpu7x:2x2x1
jax: 0.10.2.dev20260603
libtpu: 0.0.44.dev20260713+nightly
codegen_flags: <defaults>
</compile_context>

<pallas_src>
import functools

import jax
import jax.numpy as jnp
from jax import lax
from jax.experimental import pallas as pl
from jax.experimental.pallas import tpu as pltpu
from jax.experimental.pallas import tpu_sc as plsc

N = 10000
D = 128
ALPHA = 0.5

NC = 2
NS = 16
NW = NC * NS
CH = 128
CHUNKS = 80
NPAD = 10240
RPD = NPAD // NS

_MESH = dict(core_axis_name="c", subcore_axis_name="s")


@functools.partial(
    pl.kernel,
    out_type=jax.ShapeDtypeStruct((NC, NS, RPD), jnp.float32),
    mesh=plsc.VectorSubcoreMesh(**_MESH),
    scratch_types=[
        pltpu.VMEM((CHUNKS, CH), jnp.int32),
        pltpu.VMEM((CH,), jnp.float32),
        pltpu.VMEM((RPD,), jnp.float32),
        pltpu.VMEM_SHARED((NPAD,), jnp.float32),
    ],
)
def _deg_kernel(dst_hbm, out_hbm, idx_v, ones_v, zb_v, deg_sh):
  c = lax.axis_index("c")
  s = lax.axis_index("s")
  wid = c * NS + s
  pltpu.sync_copy(dst_hbm.at[wid], idx_v)

  def zb_body(i, _):
    zb_v[pl.ds(i * 16, 16)] = jnp.zeros((16,), jnp.float32)
    return 0

  lax.fori_loop(0, RPD // 16, zb_body, 0)

  def ones_body(i, _):
    ones_v[pl.ds(i * 16, 16)] = jnp.ones((16,), jnp.float32)
    return 0

  lax.fori_loop(0, CH // 16, ones_body, 0)

  pltpu.sync_copy(zb_v, deg_sh.at[pl.ds(s * RPD, RPD)])
  plsc.subcore_barrier()

  def edge_body(j, _):
    pltpu.sync_copy(ones_v, deg_sh.at[idx_v.at[j]], add=True)
    return 0

  lax.fori_loop(0, CHUNKS, edge_body, 0)
  plsc.subcore_barrier()
  pltpu.sync_copy(deg_sh.at[pl.ds(s * RPD, RPD)], out_hbm.at[c, s])




@functools.partial(
    pl.kernel,
    out_type=jax.ShapeDtypeStruct((NC, NPAD, D), jnp.float32),
    mesh=plsc.VectorSubcoreMesh(**_MESH),
    scratch_types=[
        pltpu.VMEM((2, CHUNKS, CH), jnp.int32),
        pltpu.VMEM((CH, D), jnp.float32),
        pltpu.VMEM_SHARED((NPAD, D), jnp.float32),
    ],
)
def _edge_kernel(g_hbm, ei_hbm, out_hbm, ei_v, rows_v, t_sh):
  c = lax.axis_index("c")
  s = lax.axis_index("s")
  wid = c * NS + s
  pltpu.sync_copy(ei_hbm.at[wid], ei_v)

  def zero_body(i, _):
    r = i // (D // 16)
    q = i - r * (D // 16)
    rows_v[r, pl.ds(q * 16, 16)] = jnp.zeros((16,), jnp.float32)
    return 0

  lax.fori_loop(0, CH * (D // 16), zero_body, 0)

  def zinit_body(m, _):
    pltpu.sync_copy(rows_v, t_sh.at[pl.ds(s * RPD + m * CH, CH)])
    return 0

  lax.fori_loop(0, RPD // CH, zinit_body, 0)
  plsc.subcore_barrier()

  def edge_body(j, _):
    pltpu.sync_copy(g_hbm.at[ei_v.at[0, j]], rows_v)
    pltpu.sync_copy(rows_v, t_sh.at[ei_v.at[1, j]], add=True)
    return 0

  lax.fori_loop(0, CHUNKS, edge_body, 0)
  plsc.subcore_barrier()
  pltpu.sync_copy(t_sh.at[pl.ds(s * RPD, RPD)], out_hbm.at[c, pl.ds(s * RPD, RPD)])


BM = 2000


def _mm_body(x_ref, w_ref, h_ref):
  h_ref[...] = jnp.dot(x_ref[...], w_ref[...],
                       preferred_element_type=jnp.float32)


def _scale_body(deg_ref, h_ref, g_ref):
  dinv = lax.rsqrt(deg_ref[0] + deg_ref[1] + 1.0)
  g_ref[...] = dinv * h_ref[...]


def _fin_body(deg_ref, t_ref, g_ref, x_ref, b_ref, o_ref):
  dinv = lax.rsqrt(deg_ref[0] + deg_ref[1] + 1.0)
  conv = dinv * (t_ref[0] + t_ref[1] + g_ref[...]) + b_ref[...]
  o_ref[...] = jnp.maximum(ALPHA * conv + (1.0 - ALPHA) * x_ref[...], 0.0)


def kernel(x, edge_index, W, b):
  e = edge_index.shape[1]
  src = edge_index[0].astype(jnp.int32)
  dst = edge_index[1].astype(jnp.int32)
  pad = NW * CHUNKS * CH - e
  src_p = jnp.concatenate([src, jnp.arange(pad, dtype=jnp.int32) % N])
  dst_p = jnp.concatenate(
      [dst, N + jnp.arange(pad, dtype=jnp.int32) % (NPAD - N)])
  src_p = src_p.reshape(NW, CHUNKS, CH)
  dst_p = dst_p.reshape(NW, CHUNKS, CH)

  ei_p = jnp.stack([src_p, dst_p], axis=1)

  deg2 = _deg_kernel(dst_p).reshape(NC, NPAD, 1)

  grid = N // BM
  h = pl.pallas_call(
      _mm_body,
      grid=(grid,),
      in_specs=[
          pl.BlockSpec((BM, D), lambda i: (i, 0)),
          pl.BlockSpec((D, D), lambda i: (0, 0)),
      ],
      out_specs=pl.BlockSpec((BM, D), lambda i: (i, 0)),
      out_shape=jax.ShapeDtypeStruct((N, D), jnp.float32),
  )(x, W)

  g = pl.pallas_call(
      _scale_body,
      grid=(grid,),
      in_specs=[
          pl.BlockSpec((NC, BM, 1), lambda i: (0, i, 0)),
          pl.BlockSpec((BM, D), lambda i: (i, 0)),
      ],
      out_specs=pl.BlockSpec((BM, D), lambda i: (i, 0)),
      out_shape=jax.ShapeDtypeStruct((N, D), jnp.float32),
  )(deg2, h)

  t_part = _edge_kernel(g, ei_p)

  out = pl.pallas_call(
      _fin_body,
      grid=(grid,),
      in_specs=[
          pl.BlockSpec((NC, BM, 1), lambda i: (0, i, 0)),
          pl.BlockSpec((NC, BM, D), lambda i: (0, i, 0)),
          pl.BlockSpec((BM, D), lambda i: (i, 0)),
          pl.BlockSpec((BM, D), lambda i: (i, 0)),
          pl.BlockSpec((1, D), lambda i: (0, 0)),
      ],
      out_specs=pl.BlockSpec((BM, D), lambda i: (i, 0)),
      out_shape=jax.ShapeDtypeStruct((N, D), jnp.float32),
  )(deg2, t_part, g, x, b.reshape(1, D))
  return out

# --- scband reference (transcript-rebuilt; emitter-appended) ---
"""Pipeline reference for scband-residual-gnnlayer-7267084664911 (READ-ONLY COPY).

The authoritative reference and input builder live on the scoring server;
editing this copy changes nothing except your own understanding.
"""

import jax, jax.numpy as jnp
import numpy as np

N_NODES = 10000
N_EDGES = 320000
D_FEAT = 128
RESIDUAL_ALPHA = 0.5


def setup_inputs(seed: int = 0) -> dict:
    key = jax.random.key(seed)
    k_x, k_ei, k_w, k_b = jax.random.split(key, 4)
    x = jax.random.normal(k_x, (N_NODES, D_FEAT), dtype=jnp.float32)
    edge_index = jax.random.randint(k_ei, (2, N_EDGES), 0, N_NODES, dtype=jnp.int64)
    # GCNConv learned params: weight [in, out], bias [out] (glorot-ish init)
    W = jax.random.normal(k_w, (D_FEAT, D_FEAT), dtype=jnp.float32) * (1.0 / np.sqrt(D_FEAT))
    b = jnp.zeros((D_FEAT,), dtype=jnp.float32)
    return {"x": x, "edge_index": edge_index, "W": W, "b": b}


def _gcn_conv(x, edge_index, W, b):
    N = x.shape[0]
    src = edge_index[0]
    dst = edge_index[1]
    # add self-loops
    loop = jnp.arange(N, dtype=edge_index.dtype)
    src = jnp.concatenate([src, loop], axis=0)
    dst = jnp.concatenate([dst, loop], axis=0)
    ew = jnp.ones(src.shape[0], dtype=x.dtype)
    # symmetric normalization: deg from dst, norm = d^-1/2[src] * d^-1/2[dst]
    deg = jnp.zeros((N,), dtype=x.dtype).at[dst].add(ew)
    dinv = jnp.where(deg > 0, jax.lax.rsqrt(deg), 0.0)
    norm = dinv[src] * dinv[dst]
    # linear transform then propagate
    h = x @ W
    msg = jnp.take(h, src, axis=0) * norm[:, None]
    out = jnp.zeros((N, h.shape[1]), dtype=x.dtype).at[dst].add(msg)
    return out + b


def reference(x, edge_index, W, b):
    identity = x
    h = _gcn_conv(x, edge_index, W, b)
    # norm=None, dropout p=0.0 (eval no-op)
    h = RESIDUAL_ALPHA * h + (1.0 - RESIDUAL_ALPHA) * identity
    h = jax.nn.relu(h)
    return h

if __name__ == "__main__":
    import jax
    _d = setup_inputs()
    print(jax.jit(kernel)(*tuple(_d.values())))

</pallas_src>

<mosaic_0001>
#map = affine_map<(d0, d1) -> (0, 0, 0)>
module attributes {stable_mosaic.version = 14 : i64} {
  func.func @_deg_kernel(%arg0: i32, %arg1: i32, %arg2: memref<32x80x128xi32, #tpu.memory_space<hbm>>, %arg3: memref<2x16x640xf32, #tpu.memory_space<hbm>>, %arg4: memref<80x128xi32, #tpu.memory_space<vmem>>, %arg5: memref<128xf32, #tpu.memory_space<vmem>>, %arg6: memref<640xf32, #tpu.memory_space<vmem>>, %arg7: memref<10240xf32, #tpu.memory_space<vmem_shared>>) attributes {dimension_semantics = [#tpu.dimension_semantics<core_parallel>, #tpu.dimension_semantics<subcore_parallel>], iteration_bounds = array<i64: 2, 16>, scalar_prefetch = 0 : i64, scratch_operands = 4 : i64, tpu.core_type = #tpu.core_type<sc_vector_subcore>, window_params = [{transform_indices = #map}, {transform_indices = #map}]} {
    %mul3A = arith.constant 16 : i32
    %mul3A_0 = arith.muli %arg0, %mul3A : i32
    %add3A = arith.addi %mul3A_0, %arg1 : i32
    "tpu.region"() ({
      %run_scoped3A = tpu.sem_alloc : memref<!tpu.dma_semaphore, #tpu.memory_space<semaphore_mem>>
      %dma_start3A = arith.constant 0 : i32
      %dma_start3A_26 = arith.constant 0 : i32
      %dma_start3A_27 = tpu.memref_slice %arg2[%add3A, %dma_start3A, %dma_start3A_26] : memref<32x80x128xi32, #tpu.memory_space<hbm>> -> memref<1x80x128xi32, #tpu.memory_space<hbm>>
      %dma_start3A_28 = tpu.memref_squeeze %dma_start3A_27 : memref<1x80x128xi32, #tpu.memory_space<hbm>> -> memref<80x128xi32, #tpu.memory_space<hbm>>
      %dma_start3A_29 = arith.constant 0 : i32
      %dma_start3A_30 = arith.constant 0 : i32
      %dma_start3A_31 = tpu.memref_slice %arg2[%add3A, %dma_start3A_29, %dma_start3A_30] : memref<32x80x128xi32, #tpu.memory_space<hbm>> -> memref<1x80x128xi32, #tpu.memory_space<hbm>>
      %dma_start3A_32 = tpu.memref_squeeze %dma_start3A_31 : memref<1x80x128xi32, #tpu.memory_space<hbm>> -> memref<80x128xi32, #tpu.memory_space<hbm>>
      tpu.enqueue_dma source(%dma_start3A_32 : memref<80x128xi32, #tpu.memory_space<hbm>>) target(%arg4 : memref<80x128xi32, #tpu.memory_space<vmem>>) target_semaphore(%run_scoped3A : memref<!tpu.dma_semaphore, #tpu.memory_space<semaphore_mem>>)
      %dma_wait3A = arith.constant 0 : i32
      %dma_wait3A_33 = arith.constant 0 : i32
      %dma_wait3A_34 = tpu.memref_slice %arg2[%add3A, %dma_wait3A, %dma_wait3A_33] : memref<32x80x128xi32, #tpu.memory_space<hbm>> -> memref<1x80x128xi32, #tpu.memory_space<hbm>>
      %dma_wait3A_35 = tpu.memref_squeeze %dma_wait3A_34 : memref<1x80x128xi32, #tpu.memory_space<hbm>> -> memref<80x128xi32, #tpu.memory_space<hbm>>
      %dma_wait3A_36 = arith.constant 0 : i32
      %dma_wait3A_37 = arith.constant 0 : i32
      %dma_wait3A_38 = tpu.memref_slice %arg2[%add3A, %dma_wait3A_36, %dma_wait3A_37] : memref<32x80x128xi32, #tpu.memory_space<hbm>> -> memref<1x80x128xi32, #tpu.memory_space<hbm>>
      %dma_wait3A_39 = tpu.memref_squeeze %dma_wait3A_38 : memref<1x80x128xi32, #tpu.memory_space<hbm>> -> memref<80x128xi32, #tpu.memory_space<hbm>>
      tpu.wait_dma2 semaphore(%run_scoped3A : memref<!tpu.dma_semaphore, #tpu.memory_space<semaphore_mem>>) src(%dma_wait3A_39 : memref<80x128xi32, #tpu.memory_space<hbm>>) dst(%arg4 : memref<80x128xi32, #tpu.memory_space<vmem>>)
      tpu.yield
    }) : () -> ()
    %scan3A = arith.constant 0 : i32
    %scan3A_1 = arith.constant 0 : i32
    %scan3A_2 = arith.constant 40 : i32
    %scan3A_3 = arith.addi %scan3A_1, %scan3A_2 : i32
    %scan3A_4 = arith.constant 1 : i32
    %scan3A_5 = scf.for %scan3A_26 = %scan3A_1 to %scan3A_3 step %scan3A_4 iter_args(%scan3A_27 = %scan3A) -> (i32)  : i32 {
      %broadcast_in_dim3A = arith.constant 0.000000e+00 : f32
      %broadcast_in_dim3A_28 = vector.broadcast %broadcast_in_dim3A : f32 to vector<16xf32>
      %mul3A_29 = arith.constant 16 : i32
      %mul3A_30 = arith.muli %scan3A_26, %mul3A_29 : i32
      %swap3A = arith.index_cast %mul3A_30 : i32 to index
      %swap3A_31 = tpu.vector_load %arg6[%swap3A] {strides = array<i32>} : memref<640xf32, #tpu.memory_space<vmem>>, vector<16xf32>,
      %swap3A_32 = vector.shape_cast %swap3A_31 : vector<16xf32> to vector<16xf32>
      %swap3A_33 = vector.shape_cast %broadcast_in_dim3A_28 : vector<16xf32> to vector<16xf32>
      tpu.vector_store %arg6[%swap3A], %swap3A_33 {strides = array<i32>} : memref<640xf32, #tpu.memory_space<vmem>>, vector<16xf32>,
      %scan3A_34 = arith.constant 0 : i32
      scf.yield %scan3A_34 : i32
    }
    %scan3A_6 = arith.constant 40 : i32
    %scan3A_7 = arith.constant 0 : i32
    %scan3A_8 = arith.constant 0 : i32
    %scan3A_9 = arith.constant 8 : i32
    %scan3A_10 = arith.addi %scan3A_8, %scan3A_9 : i32
    %scan3A_11 = arith.constant 1 : i32
    %scan3A_12 = scf.for %scan3A_26 = %scan3A_8 to %scan3A_10 step %scan3A_11 iter_args(%scan3A_27 = %scan3A_7) -> (i32)  : i32 {
      %broadcast_in_dim3A = arith.constant 1.000000e+00 : f32
      %broadcast_in_dim3A_28 = vector.broadcast %broadcast_in_dim3A : f32 to vector<16xf32>
      %mul3A_29 = arith.constant 16 : i32
      %mul3A_30 = arith.muli %scan3A_26, %mul3A_29 : i32
      %swap3A = arith.index_cast %mul3A_30 : i32 to index
      %swap3A_31 = tpu.vector_load %arg5[%swap3A] {strides = array<i32>} : memref<128xf32, #tpu.memory_space<vmem>>, vector<16xf32>,
      %swap3A_32 = vector.shape_cast %swap3A_31 : vector<16xf32> to vector<16xf32>
      %swap3A_33 = vector.shape_cast %broadcast_in_dim3A_28 : vector<16xf32> to vector<16xf32>
      tpu.vector_store %arg5[%swap3A], %swap3A_33 {strides = array<i32>} : memref<128xf32, #tpu.memory_space<vmem>>, vector<16xf32>,
      %scan3A_34 = arith.constant 0 : i32
      scf.yield %scan3A_34 : i32
    }
    %scan3A_13 = arith.constant 8 : i32
    %mul3A_14 = arith.constant 640 : i32
    %mul3A_15 = arith.muli %arg1, %mul3A_14 : i32
    "tpu.region"() ({
      %run_scoped3A = tpu.sem_alloc : memref<!tpu.dma_semaphore, #tpu.memory_space<semaphore_mem>>
      %dma_start3A = tpu.memref_slice %arg7[%mul3A_15] : memref<10240xf32, #tpu.memory_space<vmem_shared>> -> memref<640xf32, #tpu.memory_space<vmem_shared>>
      %dma_start3A_26 = tpu.memref_slice %arg7[%mul3A_15] : memref<10240xf32, #tpu.memory_space<vmem_shared>> -> memref<640xf32, #tpu.memory_space<vmem_shared>>
      tpu.enqueue_dma source(%arg6 : memref<640xf32, #tpu.memory_space<vmem>>) target(%dma_start3A_26 : memref<640xf32, #tpu.memory_space<vmem_shared>>) target_semaphore(%run_scoped3A : memref<!tpu.dma_semaphore, #tpu.memory_space<semaphore_mem>>)
      %dma_wait3A = tpu.memref_slice %arg7[%mul3A_15] : memref<10240xf32, #tpu.memory_space<vmem_shared>> -> memref<640xf32, #tpu.memory_space<vmem_shared>>
      %dma_wait3A_27 = tpu.memref_slice %arg7[%mul3A_15] : memref<10240xf32, #tpu.memory_space<vmem_shared>> -> memref<640xf32, #tpu.memory_space<vmem_shared>>
      tpu.wait_dma2 semaphore(%run_scoped3A : memref<!tpu.dma_semaphore, #tpu.memory_space<semaphore_mem>>) src(%arg6 : memref<640xf32, #tpu.memory_space<vmem>>) dst(%dma_wait3A_27 : memref<640xf32, #tpu.memory_space<vmem_shared>>)
      tpu.yield
    }) : () -> ()
    %barrier3A = arith.constant 0 : index
    tpu.barrier barrier_id(%barrier3A)
    %scan3A_16 = arith.constant 0 : i32
    %scan3A_17 = arith.constant 0 : i32
    %scan3A_18 = arith.constant 80 : i32
    %scan3A_19 = arith.addi %scan3A_17, %scan3A_18 : i32
    %scan3A_20 = arith.constant 1 : i32
    %scan3A_21 = scf.for %scan3A_26 = %scan3A_17 to %scan3A_19 step %scan3A_20 iter_args(%scan3A_27 = %scan3A_16) -> (i32)  : i32 {
      "tpu.region"() ({
        %run_scoped3A = tpu.sem_alloc : memref<!tpu.dma_semaphore, #tpu.memory_space<semaphore_mem>>
        %dma_start3A = arith.constant 0 : i32
        %dma_start3A_29 = tpu.memref_slice %arg4[%scan3A_26, %dma_start3A] : memref<80x128xi32, #tpu.memory_space<vmem>> -> memref<1x128xi32, #tpu.memory_space<vmem>>
        %dma_start3A_30 = tpu.memref_squeeze %dma_start3A_29 : memref<1x128xi32, #tpu.memory_space<vmem>> -> memref<128xi32, #tpu.memory_space<vmem>>
        %dma_start3A_31 = arith.constant 0 : i32
        %dma_start3A_32 = tpu.memref_slice %arg7[%dma_start3A_31] : memref<10240xf32, #tpu.memory_space<vmem_shared>> -> memref<10240xf32, #tpu.memory_space<vmem_shared>>
        tpu.enqueue_indirect_dma source(%arg5 : memref<128xf32, #tpu.memory_space<vmem>>) target(%dma_start3A_32 : memref<10240xf32, #tpu.memory_space<vmem_shared>>) offsets(%dma_start3A_30 : memref<128xi32, #tpu.memory_space<vmem>>) semaphore(%run_scoped3A : memref<!tpu.dma_semaphore, #tpu.memory_space<semaphore_mem>>) {add = true}
        %dma_wait3A = arith.constant 0 : i32
        %dma_wait3A_33 = tpu.memref_slice %arg4[%scan3A_26, %dma_wait3A] : memref<80x128xi32, #tpu.memory_space<vmem>> -> memref<1x128xi32, #tpu.memory_space<vmem>>
        %dma_wait3A_34 = tpu.memref_squeeze %dma_wait3A_33 : memref<1x128xi32, #tpu.memory_space<vmem>> -> memref<128xi32, #tpu.memory_space<vmem>>
        %dma_wait3A_35 = arith.constant 0 : i32
        %dma_wait3A_36 = tpu.memref_slice %arg7[%dma_wait3A_35] : memref<10240xf32, #tpu.memory_space<vmem_shared>> -> memref<10240xf32, #tpu.memory_space<vmem_shared>>
        tpu.wait_indirect_dma semaphore(%run_scoped3A : memref<!tpu.dma_semaphore, #tpu.memory_space<semaphore_mem>>) src(%arg5 : memref<128xf32, #tpu.memory_space<vmem>>) dst(%dma_wait3A_36 : memref<10240xf32, #tpu.memory_space<vmem_shared>>)
        tpu.yield
      }) : () -> ()
      %scan3A_28 = arith.constant 0 : i32
      scf.yield %scan3A_28 : i32
    }
    %scan3A_22 = arith.constant 80 : i32
    %barrier3A_23 = arith.constant 0 : index
    tpu.barrier barrier_id(%barrier3A_23)
    %mul3A_24 = arith.constant 640 : i32
    %mul3A_25 = arith.muli %arg1, %mul3A_24 : i32
    "tpu.region"() ({
      %run_scoped3A = tpu.sem_alloc : memref<!tpu.dma_semaphore, #tpu.memory_space<semaphore_mem>>
      %dma_start3A = arith.constant 0 : i32
      %dma_start3A_26 = tpu.memref_slice %arg3[%arg0, %arg1, %dma_start3A] : memref<2x16x640xf32, #tpu.memory_space<hbm>> -> memref<1x1x640xf32, #tpu.memory_space<hbm>>
      %dma_start3A_27 = tpu.memref_squeeze %dma_start3A_26 : memref<1x1x640xf32, #tpu.memory_space<hbm>> -> memref<640xf32, #tpu.memory_space<hbm>>
      %dma_start3A_28 = tpu.memref_slice %arg7[%mul3A_25] : memref<10240xf32, #tpu.memory_space<vmem_shared>> -> memref<640xf32, #tpu.memory_space<vmem_shared>>
      tpu.enqueue_dma source(%dma_start3A_28 : memref<640xf32, #tpu.memory_space<vmem_shared>>) target(%dma_start3A_27 : memref<640xf32, #tpu.memory_space<hbm>>) target_semaphore(%run_scoped3A : memref<!tpu.dma_semaphore, #tpu.memory_space<semaphore_mem>>)
      %dma_wait3A = arith.constant 0 : i32
      %dma_wait3A_29 = tpu.memref_slice %arg3[%arg0, %arg1, %dma_wait3A] : memref<2x16x640xf32, #tpu.memory_space<hbm>> -> memref<1x1x640xf32, #tpu.memory_space<hbm>>
      %dma_wait3A_30 = tpu.memref_squeeze %dma_wait3A_29 : memref<1x1x640xf32, #tpu.memory_space<hbm>> -> memref<640xf32, #tpu.memory_space<hbm>>
      %dma_wait3A_31 = tpu.memref_slice %arg7[%mul3A_25] : memref<10240xf32, #tpu.memory_space<vmem_shared>> -> memref<640xf32, #tpu.memory_space<vmem_shared>>
      tpu.wait_dma2 semaphore(%run_scoped3A : memref<!tpu.dma_semaphore, #tpu.memory_space<semaphore_mem>>) src(%dma_wait3A_31 : memref<640xf32, #tpu.memory_space<vmem_shared>>) dst(%dma_wait3A_30 : memref<640xf32, #tpu.memory_space<hbm>>)
      tpu.yield
    }) : () -> ()
    return
  }
}

#map = affine_map<(d0, d1) -> (0, 0)>
#map1 = affine_map<(d0, d1) -> (0, 0, 0, 0)>
#map2 = affine_map<(d0, d1) -> (0, 0, 0)>
module attributes {stable_mosaic.version = 14 : i64} {
  func.func @_edge_kernel(%arg0: i32, %arg1: i32, %arg2: memref<10000x128xf32, #tpu.memory_space<hbm>>, %arg3: memref<32x2x80x128xi32, #tpu.memory_space<hbm>>, %arg4: memref<2x10240x128xf32, #tpu.memory_space<hbm>>, %arg5: memref<2x80x128xi32, #tpu.memory_space<vmem>>, %arg6: memref<128x128xf32, #tpu.memory_space<vmem>>, %arg7: memref<10240x128xf32, #tpu.memory_space<vmem_shared>>) attributes {dimension_semantics = [#tpu.dimension_semantics<core_parallel>, #tpu.dimension_semantics<subcore_parallel>], iteration_bounds = array<i64: 2, 16>, scalar_prefetch = 0 : i64, scratch_operands = 3 : i64, tpu.core_type = #tpu.core_type<sc_vector_subcore>, window_params = [{transform_indices = #map}, {transform_indices = #map1}, {transform_indices = #map2}]} {
    %mul3A = arith.constant 16 : i32
    %mul3A_0 = arith.muli %arg0, %mul3A : i32
    %add3A = arith.addi %mul3A_0, %arg1 : i32
    "tpu.region"() ({
      %run_scoped3A = tpu.sem_alloc : memref<!tpu.dma_semaphore, #tpu.memory_space<semaphore_mem>>
      %dma_start3A = arith.constant 0 : i32
      %dma_start3A_26 = arith.constant 0 : i32
      %dma_start3A_27 = arith.constant 0 : i32
      %dma_start3A_28 = tpu.memref_slice %arg3[%add3A, %dma_start3A, %dma_start3A_26, %dma_start3A_27] : memref<32x2x80x128xi32, #tpu.memory_space<hbm>> -> memref<1x2x80x128xi32, #tpu.memory_space<hbm>>
      %dma_start3A_29 = tpu.memref_squeeze %dma_start3A_28 : memref<1x2x80x128xi32, #tpu.memory_space<hbm>> -> memref<2x80x128xi32, #tpu.memory_space<hbm>>
      %dma_start3A_30 = arith.constant 0 : i32
      %dma_start3A_31 = arith.constant 0 : i32
      %dma_start3A_32 = arith.constant 0 : i32
      %dma_start3A_33 = tpu.memref_slice %arg3[%add3A, %dma_start3A_30, %dma_start3A_31, %dma_start3A_32] : memref<32x2x80x128xi32, #tpu.memory_space<hbm>> -> memref<1x2x80x128xi32, #tpu.memory_space<hbm>>
      %dma_start3A_34 = tpu.memref_squeeze %dma_start3A_33 : memref<1x2x80x128xi32, #tpu.memory_space<hbm>> -> memref<2x80x128xi32, #tpu.memory_space<hbm>>
      tpu.enqueue_dma source(%dma_start3A_34 : memref<2x80x128xi32, #tpu.memory_space<hbm>>) target(%arg5 : memref<2x80x128xi32, #tpu.memory_space<vmem>>) target_semaphore(%run_scoped3A : memref<!tpu.dma_semaphore, #tpu.memory_space<semaphore_mem>>)
      %dma_wait3A = arith.constant 0 : i32
      %dma_wait3A_35 = arith.constant 0 : i32
      %dma_wait3A_36 = arith.constant 0 : i32
      %dma_wait3A_37 = tpu.memref_slice %arg3[%add3A, %dma_wait3A, %dma_wait3A_35, %dma_wait3A_36] : memref<32x2x80x128xi32, #tpu.memory_space<hbm>> -> memref<1x2x80x128xi32, #tpu.memory_space<hbm>>
      %dma_wait3A_38 = tpu.memref_squeeze %dma_wait3A_37 : memref<1x2x80x128xi32, #tpu.memory_space<hbm>> -> memref<2x80x128xi32, #tpu.memory_space<hbm>>
      %dma_wait3A_39 = arith.constant 0 : i32
      %dma_wait3A_40 = arith.constant 0 : i32
      %dma_wait3A_41 = arith.constant 0 : i32
      %dma_wait3A_42 = tpu.memref_slice %arg3[%add3A, %dma_wait3A_39, %dma_wait3A_40, %dma_wait3A_41] : memref<32x2x80x128xi32, #tpu.memory_space<hbm>> -> memref<1x2x80x128xi32, #tpu.memory_space<hbm>>
      %dma_wait3A_43 = tpu.memref_squeeze %dma_wait3A_42 : memref<1x2x80x128xi32, #tpu.memory_space<hbm>> -> memref<2x80x128xi32, #tpu.memory_space<hbm>>
      tpu.wait_dma2 semaphore(%run_scoped3A : memref<!tpu.dma_semaphore, #tpu.memory_space<semaphore_mem>>) src(%dma_wait3A_43 : memref<2x80x128xi32, #tpu.memory_space<hbm>>) dst(%arg5 : memref<2x80x128xi32, #tpu.memory_space<vmem>>)
      tpu.yield
    }) : () -> ()
    %scan3A = arith.constant 0 : i32
    %scan3A_1 = arith.constant 0 : i32
    %scan3A_2 = arith.constant 1024 : i32
    %scan3A_3 = arith.addi %scan3A_1, %scan3A_2 : i32
    %scan3A_4 = arith.constant 1 : i32
    %scan3A_5 = scf.for %scan3A_26 = %scan3A_1 to %scan3A_3 step %scan3A_4 iter_args(%scan3A_27 = %scan3A) -> (i32)  : i32 {
      %jit3A = arith.constant 8 : i32
      %div3A = arith.divsi %scan3A_26, %jit3A : i32
      %sign3A = arith.constant 0 : i32
      %sign3A_28 = arith.cmpi sgt, %scan3A_26, %sign3A : i32
      %sign3A_29 = arith.extui %sign3A_28 : i1 to i32
      %sign3A_30 = arith.constant 0 : i32
      %sign3A_31 = arith.cmpi slt, %scan3A_26, %sign3A_30 : i32
      %sign3A_32 = arith.extui %sign3A_31 : i1 to i32
      %sign3A_33 = arith.subi %sign3A_29, %sign3A_32 : i32
      %sign3A_34 = arith.constant 0 : i32
      %sign3A_35 = arith.cmpi sgt, %jit3A, %sign3A_34 : i32
      %sign3A_36 = arith.extui %sign3A_35 : i1 to i32
      %sign3A_37 = arith.constant 0 : i32
      %sign3A_38 = arith.cmpi slt, %jit3A, %sign3A_37 : i32
      %sign3A_39 = arith.extui %sign3A_38 : i1 to i32
      %sign3A_40 = arith.subi %sign3A_36, %sign3A_39 : i32
      %ne3A = arith.cmpi ne, %sign3A_33, %sign3A_40 : i32
      %rem3A = arith.remsi %scan3A_26, %jit3A : i32
      %ne3A_41 = arith.constant 0 : i32
      %ne3A_42 = arith.cmpi ne, %rem3A, %ne3A_41 : i32
      %and3A = arith.andi %ne3A, %ne3A_42 : i1
      %sub3A = arith.constant 1 : i32
      %sub3A_43 = arith.subi %div3A, %sub3A : i32
      %select_n3A = arith.select %and3A, %sub3A_43, %div3A : i32
      %mul3A_44 = arith.constant 8 : i32
      %mul3A_45 = arith.muli %select_n3A, %mul3A_44 : i32
      %sub3A_46 = arith.subi %scan3A_26, %mul3A_45 : i32
      %broadcast_in_dim3A = arith.constant 0.000000e+00 : f32
      %broadcast_in_dim3A_47 = vector.broadcast %broadcast_in_dim3A : f32 to vector<16xf32>
      %mul3A_48 = arith.constant 16 : i32
      %mul3A_49 = arith.muli %sub3A_46, %mul3A_48 : i32
      %swap3A = arith.index_cast %select_n3A : i32 to index
      %swap3A_50 = arith.index_cast %mul3A_49 : i32 to index
      %swap3A_51 = tpu.vector_load %arg6[%swap3A, %swap3A_50] {strides = array<i32>} : memref<128x128xf32, #tpu.memory_space<vmem>>, vector<1x16xf32>,
      %swap3A_52 = vector.shape_cast %swap3A_51 : vector<1x16xf32> to vector<16xf32>
      %swap3A_53 = vector.shape_cast %broadcast_in_dim3A_47 : vector<16xf32> to vector<1x16xf32>
      tpu.vector_store %arg6[%swap3A, %swap3A_50], %swap3A_53 {strides = array<i32>} : memref<128x128xf32, #tpu.memory_space<vmem>>, vector<1x16xf32>,
      %scan3A_54 = arith.constant 0 : i32
      scf.yield %scan3A_54 : i32
    }
    %scan3A_6 = arith.constant 1024 : i32
    %scan3A_7 = arith.constant 0 : i32
    %scan3A_8 = arith.constant 0 : i32
    %scan3A_9 = arith.constant 5 : i32
    %scan3A_10 = arith.addi %scan3A_8, %scan3A_9 : i32
    %scan3A_11 = arith.constant 1 : i32
    %scan3A_12 = scf.for %scan3A_26 = %scan3A_8 to %scan3A_10 step %scan3A_11 iter_args(%scan3A_27 = %scan3A_7) -> (i32)  : i32 {
      %mul3A_28 = arith.constant 640 : i32
      %mul3A_29 = arith.muli %arg1, %mul3A_28 : i32
      %mul3A_30 = arith.constant 128 : i32
      %mul3A_31 = arith.muli %scan3A_26, %mul3A_30 : i32
      %add3A_32 = arith.addi %mul3A_29, %mul3A_31 : i32
      "tpu.region"() ({
        %run_scoped3A = tpu.sem_alloc : memref<!tpu.dma_semaphore, #tpu.memory_space<semaphore_mem>>
        %dma_start3A = arith.constant 0 : i32
        %dma_start3A_34 = tpu.memref_slice %arg7[%add3A_32, %dma_start3A] : memref<10240x128xf32, #tpu.memory_space<vmem_shared>> -> memref<128x128xf32, #tpu.memory_space<vmem_shared>>
        %dma_start3A_35 = arith.constant 0 : i32
        %dma_start3A_36 = tpu.memref_slice %arg7[%add3A_32, %dma_start3A_35] : memref<10240x128xf32, #tpu.memory_space<vmem_shared>> -> memref<128x128xf32, #tpu.memory_space<vmem_shared>>
        tpu.enqueue_dma source(%arg6 : memref<128x128xf32, #tpu.memory_space<vmem>>) target(%dma_start3A_36 : memref<128x128xf32, #tpu.memory_space<vmem_shared>>) target_semaphore(%run_scoped3A : memref<!tpu.dma_semaphore, #tpu.memory_space<semaphore_mem>>)
        %dma_wait3A = arith.constant 0 : i32
        %dma_wait3A_37 = tpu.memref_slice %arg7[%add3A_32, %dma_wait3A] : memref<10240x128xf32, #tpu.memory_space<vmem_shared>> -> memref<128x128xf32, #tpu.memory_space<vmem_shared>>
        %dma_wait3A_38 = arith.constant 0 : i32
        %dma_wait3A_39 = tpu.memref_slice %arg7[%add3A_32, %dma_wait3A_38] : memref<10240x128xf32, #tpu.memory_space<vmem_shared>> -> memref<128x128xf32, #tpu.memory_space<vmem_shared>>
        tpu.wait_dma2 semaphore(%run_scoped3A : memref<!tpu.dma_semaphore, #tpu.memory_space<semaphore_mem>>) src(%arg6 : memref<128x128xf32, #tpu.memory_space<vmem>>) dst(%dma_wait3A_39 : memref<128x128xf32, #tpu.memory_space<vmem_shared>>)
        tpu.yield
      }) : () -> ()
      %scan3A_33 = arith.constant 0 : i32
      scf.yield %scan3A_33 : i32
    }
    %scan3A_13 = arith.constant 5 : i32
    %barrier3A = arith.constant 0 : index
    tpu.barrier barrier_id(%barrier3A)
    %scan3A_14 = arith.constant 0 : i32
    %scan3A_15 = arith.constant 0 : i32
    %scan3A_16 = arith.constant 80 : i32
    %scan3A_17 = arith.addi %scan3A_15, %scan3A_16 : i32
    %scan3A_18 = arith.constant 1 : i32
    %scan3A_19 = scf.for %scan3A_26 = %scan3A_15 to %scan3A_17 step %scan3A_18 iter_args(%scan3A_27 = %scan3A_14) -> (i32)  : i32 {
      %run_scoped3A = arith.constant 0 : i32
      "tpu.region"() ({
        %run_scoped3A_30 = tpu.sem_alloc : memref<!tpu.dma_semaphore, #tpu.memory_space<semaphore_mem>>
        %dma_start3A = arith.constant 0 : i32
        %dma_start3A_31 = tpu.memref_slice %arg5[%run_scoped3A, %scan3A_26, %dma_start3A] : memref<2x80x128xi32, #tpu.memory_space<vmem>> -> memref<1x1x128xi32, #tpu.memory_space<vmem>>
        %dma_start3A_32 = tpu.memref_squeeze %dma_start3A_31 : memref<1x1x128xi32, #tpu.memory_space<vmem>> -> memref<128xi32, #tpu.memory_space<vmem>>
        %dma_start3A_33 = arith.constant 0 : i32
        %dma_start3A_34 = arith.constant 0 : i32
        %dma_start3A_35 = tpu.memref_slice %arg2[%dma_start3A_33, %dma_start3A_34] : memref<10000x128xf32, #tpu.memory_space<hbm>> -> memref<10000x128xf32, #tpu.memory_space<hbm>>
        tpu.enqueue_indirect_dma source(%dma_start3A_35 : memref<10000x128xf32, #tpu.memory_space<hbm>>) target(%arg6 : memref<128x128xf32, #tpu.memory_space<vmem>>) offsets(%dma_start3A_32 : memref<128xi32, #tpu.memory_space<vmem>>) semaphore(%run_scoped3A_30 : memref<!tpu.dma_semaphore, #tpu.memory_space<semaphore_mem>>)
        %dma_wait3A = arith.constant 0 : i32
        %dma_wait3A_36 = tpu.memref_slice %arg5[%run_scoped3A, %scan3A_26, %dma_wait3A] : memref<2x80x128xi32, #tpu.memory_space<vmem>> -> memref<1x1x128xi32, #tpu.memory_space<vmem>>
        %dma_wait3A_37 = tpu.memref_squeeze %dma_wait3A_36 : memref<1x1x128xi32, #tpu.memory_space<vmem>> -> memref<128xi32, #tpu.memory_space<vmem>>
        %dma_wait3A_38 = arith.constant 0 : i32
        %dma_wait3A_39 = arith.constant 0 : i32
        %dma_wait3A_40 = tpu.memref_slice %arg2[%dma_wait3A_38, %dma_wait3A_39] : memref<10000x128xf32, #tpu.memory_space<hbm>> -> memref<10000x128xf32, #tpu.memory_space<hbm>>
        tpu.wait_indirect_dma semaphore(%run_scoped3A_30 : memref<!tpu.dma_semaphore, #tpu.memory_space<semaphore_mem>>) src(%dma_wait3A_40 : memref<10000x128xf32, #tpu.memory_space<hbm>>) dst(%arg6 : memref<128x128xf32, #tpu.memory_space<vmem>>)
        tpu.yield
      }) : () -> ()
      %run_scoped3A_28 = arith.constant 1 : i32
      "tpu.region"() ({
        %run_scoped3A_30 = tpu.sem_alloc : memref<!tpu.dma_semaphore, #tpu.memory_space<semaphore_mem>>
        %dma_start3A = arith.constant 0 : i32
        %dma_start3A_31 = tpu.memref_slice %arg5[%run_scoped3A_28, %scan3A_26, %dma_start3A] : memref<2x80x128xi32, #tpu.memory_space<vmem>> -> memref<1x1x128xi32, #tpu.memory_space<vmem>>
        %dma_start3A_32 = tpu.memref_squeeze %dma_start3A_31 : memref<1x1x128xi32, #tpu.memory_space<vmem>> -> memref<128xi32, #tpu.memory_space<vmem>>
        %dma_start3A_33 = arith.constant 0 : i32
        %dma_start3A_34 = arith.constant 0 : i32
        %dma_start3A_35 = tpu.memref_slice %arg7[%dma_start3A_33, %dma_start3A_34] : memref<10240x128xf32, #tpu.memory_space<vmem_shared>> -> memref<10240x128xf32, #tpu.memory_space<vmem_shared>>
        tpu.enqueue_indirect_dma source(%arg6 : memref<128x128xf32, #tpu.memory_space<vmem>>) target(%dma_start3A_35 : memref<10240x128xf32, #tpu.memory_space<vmem_shared>>) offsets(%dma_start3A_32 : memref<128xi32, #tpu.memory_space<vmem>>) semaphore(%run_scoped3A_30 : memref<!tpu.dma_semaphore, #tpu.memory_space<semaphore_mem>>) {add = true}
        %dma_wait3A = arith.constant 0 : i32
        %dma_wait3A_36 = tpu.memref_slice %arg5[%run_scoped3A_28, %scan3A_26, %dma_wait3A] : memref<2x80x128xi32, #tpu.memory_space<vmem>> -> memref<1x1x128xi32, #tpu.memory_space<vmem>>
        %dma_wait3A_37 = tpu.memref_squeeze %dma_wait3A_36 : memref<1x1x128xi32, #tpu.memory_space<vmem>> -> memref<128xi32, #tpu.memory_space<vmem>>
        %dma_wait3A_38 = arith.constant 0 : i32
        %dma_wait3A_39 = arith.constant 0 : i32
        %dma_wait3A_40 = tpu.memref_slice %arg7[%dma_wait3A_38, %dma_wait3A_39] : memref<10240x128xf32, #tpu.memory_space<vmem_shared>> -> memref<10240x128xf32, #tpu.memory_space<vmem_shared>>
        tpu.wait_indirect_dma semaphore(%run_scoped3A_30 : memref<!tpu.dma_semaphore, #tpu.memory_space<semaphore_mem>>) src(%arg6 : memref<128x128xf32, #tpu.memory_space<vmem>>) dst(%dma_wait3A_40 : memref<10240x128xf32, #tpu.memory_space<vmem_shared>>)
        tpu.yield
      }) : () -> ()
      %scan3A_29 = arith.constant 0 : i32
      scf.yield %scan3A_29 : i32
    }
    %scan3A_20 = arith.constant 80 : i32
    %barrier3A_21 = arith.constant 0 : index
    tpu.barrier barrier_id(%barrier3A_21)
    %mul3A_22 = arith.constant 640 : i32
    %mul3A_23 = arith.muli %arg1, %mul3A_22 : i32
    %mul3A_24 = arith.constant 640 : i32
    %mul3A_25 = arith.muli %arg1, %mul3A_24 : i32
    "tpu.region"() ({
      %run_scoped3A = tpu.sem_alloc : memref<!tpu.dma_semaphore, #tpu.memory_space<semaphore_mem>>
      %dma_start3A = arith.constant 0 : i32
      %dma_start3A_26 = tpu.memref_slice %arg4[%arg0, %mul3A_25, %dma_start3A] : memref<2x10240x128xf32, #tpu.memory_space<hbm>> -> memref<1x640x128xf32, #tpu.memory_space<hbm>>
      %dma_start3A_27 = tpu.memref_squeeze %dma_start3A_26 : memref<1x640x128xf32, #tpu.memory_space<hbm>> -> memref<640x128xf32, #tpu.memory_space<hbm>>
      %dma_start3A_28 = arith.constant 0 : i32
      %dma_start3A_29 = tpu.memref_slice %arg7[%mul3A_23, %dma_start3A_28] : memref<10240x128xf32, #tpu.memory_space<vmem_shared>> -> memref<640x128xf32, #tpu.memory_space<vmem_shared>>
      tpu.enqueue_dma source(%dma_start3A_29 : memref<640x128xf32, #tpu.memory_space<vmem_shared>>) target(%dma_start3A_27 : memref<640x128xf32, #tpu.memory_space<hbm>>) target_semaphore(%run_scoped3A : memref<!tpu.dma_semaphore, #tpu.memory_space<semaphore_mem>>)
      %dma_wait3A = arith.constant 0 : i32
      %dma_wait3A_30 = tpu.memref_slice %arg4[%arg0, %mul3A_25, %dma_wait3A] : memref<2x10240x128xf32, #tpu.memory_space<hbm>> -> memref<1x640x128xf32, #tpu.memory_space<hbm>>
      %dma_wait3A_31 = tpu.memref_squeeze %dma_wait3A_30 : memref<1x640x128xf32, #tpu.memory_space<hbm>> -> memref<640x128xf32, #tpu.memory_space<hbm>>
      %dma_wait3A_32 = arith.constant 0 : i32
      %dma_wait3A_33 = tpu.memref_slice %arg7[%mul3A_23, %dma_wait3A_32] : memref<10240x128xf32, #tpu.memory_space<vmem_shared>> -> memref<640x128xf32, #tpu.memory_space<vmem_shared>>
      tpu.wait_dma2 semaphore(%run_scoped3A : memref<!tpu.dma_semaphore, #tpu.memory_space<semaphore_mem>>) src(%dma_wait3A_33 : memref<640x128xf32, #tpu.memory_space<vmem_shared>>) dst(%dma_wait3A_31 : memref<640x128xf32, #tpu.memory_space<hbm>>)
      tpu.yield
    }) : () -> ()
    return
  }
}

module attributes {stable_mosaic.version = 14 : i64} {
  func.func @_mm_body(%arg0: i32, %arg1: memref<2000x128xf32, #tpu.memory_space<vmem>>, %arg2: memref<128x128xf32, #tpu.memory_space<vmem>>, %arg3: memref<2000x128xf32, #tpu.memory_space<vmem>>) attributes {dimension_semantics = [#tpu.dimension_semantics<arbitrary>], iteration_bounds = array<i64: 5>, scalar_prefetch = 0 : i64, scratch_operands = 0 : i64, tpu.core_type = #tpu.core_type<tc>, window_params = [{transform_indices = @transform_0, window_bounds = array<i64: 2000, 128>}, {pipeline_mode = #tpu.pipeline_mode<synchronous>, transform_indices = @transform_1, window_bounds = array<i64: 128, 128>}, {transform_indices = @transform_2, window_bounds = array<i64: 2000, 128>}]} {
    %get3A = arith.constant 0 : index
    %get3A_0 = arith.constant 0 : index
    %get3A_1 = vector.load %arg1[%get3A, %get3A_0] : memref<2000x128xf32, #tpu.memory_space<vmem>>, vector<2000x128xf32>
    %get3A_2 = arith.constant 0 : index
    %get3A_3 = arith.constant 0 : index
    %get3A_4 = vector.load %arg2[%get3A_2, %get3A_3] : memref<128x128xf32, #tpu.memory_space<vmem>>, vector<128x128xf32>
    %dot_general3A = arith.constant dense<0.000000e+00> : vector<2000x128xf32>
    %dot_general3A_5 = tpu.matmul %get3A_1, %get3A_4, %dot_general3A {dimension_numbers = #tpu.dot_dimension_numbers<[1], [0], [0], [1], [0, 0, 1, 1], [], []>, transpose_lhs_hint = false} : vector<2000x128xf32>, vector<128x128xf32>, vector<2000x128xf32> -> vector<2000x128xf32>
    %swap3A = arith.constant 0 : index
    %swap3A_6 = arith.constant 0 : index
    %swap3A_7 = vector.load %arg3[%swap3A, %swap3A_6] : memref<2000x128xf32, #tpu.memory_space<vmem>>, vector<2000x128xf32>
    tpu.vector_store %arg3[%swap3A, %swap3A_6], %dot_general3A_5 {strides = array<i32>} : memref<2000x128xf32, #tpu.memory_space<vmem>>, vector<2000x128xf32>,
    return
  }
  func.func @transform_0(%arg0: i32) -> (i32, i32) {
    %c0_i32 = arith.constant 0 : i32
    %c0_i32_0 = arith.constant 0 : i32
    return %arg0, %c0_i32 : i32, i32
  }
  func.func @transform_1(%arg0: i32) -> (i32, i32) {
    %c0_i32 = arith.constant 0 : i32
    %c0_i32_0 = arith.constant 0 : i32
    %c0_i32_1 = arith.constant 0 : i32
    return %c0_i32, %c0_i32_0 : i32, i32
  }
  func.func @transform_2(%arg0: i32) -> (i32, i32) {
    %c0_i32 = arith.constant 0 : i32
    %c0_i32_0 = arith.constant 0 : i32
    return %arg0, %c0_i32 : i32, i32
  }
}

module attributes {stable_mosaic.version = 14 : i64} {
  func.func @_scale_body(%arg0: i32, %arg1: memref<2x2000x1xf32, #tpu.memory_space<vmem>>, %arg2: memref<2000x128xf32, #tpu.memory_space<vmem>>, %arg3: memref<2000x128xf32, #tpu.memory_space<vmem>>) attributes {dimension_semantics = [#tpu.dimension_semantics<arbitrary>], iteration_bounds = array<i64: 5>, scalar_prefetch = 0 : i64, scratch_operands = 0 : i64, tpu.core_type = #tpu.core_type<tc>, window_params = [{transform_indices = @transform_0, window_bounds = array<i64: 2, 2000, 1>}, {transform_indices = @transform_1, window_bounds = array<i64: 2000, 128>}, {transform_indices = @transform_2, window_bounds = array<i64: 2000, 128>}]} {
    %get3A = arith.constant 0 : index
    %get3A_0 = arith.constant 0 : index
    %get3A_1 = arith.constant 0 : index
    %get3A_2 = vector.load %arg1[%get3A, %get3A_0, %get3A_1] : memref<2x2000x1xf32, #tpu.memory_space<vmem>>, vector<1x2000x1xf32>
    %get3A_3 = vector.shape_cast %get3A_2 : vector<1x2000x1xf32> to vector<2000x1xf32>
    %get3A_4 = arith.constant 1 : index
    %get3A_5 = arith.constant 0 : index
    %get3A_6 = arith.constant 0 : index
    %get3A_7 = vector.load %arg1[%get3A_4, %get3A_5, %get3A_6] : memref<2x2000x1xf32, #tpu.memory_space<vmem>>, vector<1x2000x1xf32>
    %get3A_8 = vector.shape_cast %get3A_7 : vector<1x2000x1xf32> to vector<2000x1xf32>
    %add3A = arith.addf %get3A_3, %get3A_8 : vector<2000x1xf32>
    %add3A_9 = arith.constant 1.000000e+00 : f32
    %add3A_10 = vector.broadcast %add3A_9 : f32 to vector<2000x1xf32>
    %add3A_11 = arith.addf %add3A, %add3A_10 : vector<2000x1xf32>
    %rsqrt3A = math.rsqrt %add3A_11 : vector<2000x1xf32>
    %get3A_12 = arith.constant 0 : index
    %get3A_13 = arith.constant 0 : index
    %get3A_14 = vector.load %arg2[%get3A_12, %get3A_13] : memref<2000x128xf32, #tpu.memory_space<vmem>>, vector<2000x128xf32>
    %mul3A = vector.broadcast %rsqrt3A : vector<2000x1xf32> to vector<2000x128xf32>
    %mul3A_15 = arith.mulf %mul3A, %get3A_14 : vector<2000x128xf32>
    %swap3A = arith.constant 0 : index
    %swap3A_16 = arith.constant 0 : index
    %swap3A_17 = vector.load %arg3[%swap3A, %swap3A_16] : memref<2000x128xf32, #tpu.memory_space<vmem>>, vector<2000x128xf32>
    tpu.vector_store %arg3[%swap3A, %swap3A_16], %mul3A_15 {strides = array<i32>} : memref<2000x128xf32, #tpu.memory_space<vmem>>, vector<2000x128xf32>,
    return
  }
  func.func @transform_0(%arg0: i32) -> (i32, i32, i32) {
    %c0_i32 = arith.constant 0 : i32
    %c0_i32_0 = arith.constant 0 : i32
    %c0_i32_1 = arith.constant 0 : i32
    return %c0_i32, %arg0, %c0_i32_0 : i32, i32, i32
  }
  func.func @transform_1(%arg0: i32) -> (i32, i32) {
    %c0_i32 = arith.constant 0 : i32
    %c0_i32_0 = arith.constant 0 : i32
    return %arg0, %c0_i32 : i32, i32
  }
  func.func @transform_2(%arg0: i32) -> (i32, i32) {
    %c0_i32 = arith.constant 0 : i32
    %c0_i32_0 = arith.constant 0 : i32
    return %arg0, %c0_i32 : i32, i32
  }
}

module attributes {stable_mosaic.version = 14 : i64} {
  func.func @_fin_body(%arg0: i32, %arg1: memref<2x2000x1xf32, #tpu.memory_space<vmem>>, %arg2: memref<2x2000x128xf32, #tpu.memory_space<vmem>>, %arg3: memref<2000x128xf32, #tpu.memory_space<vmem>>, %arg4: memref<2000x128xf32, #tpu.memory_space<vmem>>, %arg5: memref<1x128xf32, #tpu.memory_space<vmem>>, %arg6: memref<2000x128xf32, #tpu.memory_space<vmem>>) attributes {dimension_semantics = [#tpu.dimension_semantics<arbitrary>], iteration_bounds = array<i64: 5>, scalar_prefetch = 0 : i64, scratch_operands = 0 : i64, tpu.core_type = #tpu.core_type<tc>, window_params = [{transform_indices = @transform_0, window_bounds = array<i64: 2, 2000, 1>}, {transform_indices = @transform_1, window_bounds = array<i64: 2, 2000, 128>}, {transform_indices = @transform_2, window_bounds = array<i64: 2000, 128>}, {transform_indices = @transform_3, window_bounds = array<i64: 2000, 128>}, {pipeline_mode = #tpu.pipeline_mode<synchronous>, transform_indices = @transform_4, window_bounds = array<i64: 1, 128>}, {transform_indices = @transform_5, window_bounds = array<i64: 2000, 128>}]} {
    %get3A = arith.constant 0 : index
    %get3A_0 = arith.constant 0 : index
    %get3A_1 = arith.constant 0 : index
    %get3A_2 = vector.load %arg1[%get3A, %get3A_0, %get3A_1] : memref<2x2000x1xf32, #tpu.memory_space<vmem>>, vector<1x2000x1xf32>
    %get3A_3 = vector.shape_cast %get3A_2 : vector<1x2000x1xf32> to vector<2000x1xf32>
    %get3A_4 = arith.constant 1 : index
    %get3A_5 = arith.constant 0 : index
    %get3A_6 = arith.constant 0 : index
    %get3A_7 = vector.load %arg1[%get3A_4, %get3A_5, %get3A_6] : memref<2x2000x1xf32, #tpu.memory_space<vmem>>, vector<1x2000x1xf32>
    %get3A_8 = vector.shape_cast %get3A_7 : vector<1x2000x1xf32> to vector<2000x1xf32>
    %add3A = arith.addf %get3A_3, %get3A_8 : vector<2000x1xf32>
    %add3A_9 = arith.constant 1.000000e+00 : f32
    %add3A_10 = vector.broadcast %add3A_9 : f32 to vector<2000x1xf32>
    %add3A_11 = arith.addf %add3A, %add3A_10 : vector<2000x1xf32>
    %rsqrt3A = math.rsqrt %add3A_11 : vector<2000x1xf32>
    %get3A_12 = arith.constant 0 : index
    %get3A_13 = arith.constant 0 : index
    %get3A_14 = arith.constant 0 : index
    %get3A_15 = vector.load %arg2[%get3A_12, %get3A_13, %get3A_14] : memref<2x2000x128xf32, #tpu.memory_space<vmem>>, vector<1x2000x128xf32>
    %get3A_16 = vector.shape_cast %get3A_15 : vector<1x2000x128xf32> to vector<2000x128xf32>
    %get3A_17 = arith.constant 1 : index
    %get3A_18 = arith.constant 0 : index
    %get3A_19 = arith.constant 0 : index
    %get3A_20 = vector.load %arg2[%get3A_17, %get3A_18, %get3A_19] : memref<2x2000x128xf32, #tpu.memory_space<vmem>>, vector<1x2000x128xf32>
    %get3A_21 = vector.shape_cast %get3A_20 : vector<1x2000x128xf32> to vector<2000x128xf32>
    %add3A_22 = arith.addf %get3A_16, %get3A_21 : vector<2000x128xf32>
    %get3A_23 = arith.constant 0 : index
    %get3A_24 = arith.constant 0 : index
    %get3A_25 = vector.load %arg3[%get3A_23, %get3A_24] : memref<2000x128xf32, #tpu.memory_space<vmem>>, vector<2000x128xf32>
    %add3A_26 = arith.addf %add3A_22, %get3A_25 : vector<2000x128xf32>
    %mul3A = vector.broadcast %rsqrt3A : vector<2000x1xf32> to vector<2000x128xf32>
    %mul3A_27 = arith.mulf %mul3A, %add3A_26 : vector<2000x128xf32>
    %get3A_28 = arith.constant 0 : index
    %get3A_29 = arith.constant 0 : index
    %get3A_30 = vector.load %arg5[%get3A_28, %get3A_29] : memref<1x128xf32, #tpu.memory_space<vmem>>, vector<1x128xf32>
    %add3A_31 = vector.broadcast %get3A_30 : vector<1x128xf32> to vector<2000x128xf32>
    %add3A_32 = arith.addf %mul3A_27, %add3A_31 : vector<2000x128xf32>
    %mul3A_33 = arith.constant 5.000000e-01 : f32
    %mul3A_34 = vector.broadcast %mul3A_33 : f32 to vector<2000x128xf32>
    %mul3A_35 = arith.mulf %mul3A_34, %add3A_32 : vector<2000x128xf32>
    %get3A_36 = arith.constant 0 : index
    %get3A_37 = arith.constant 0 : index
    %get3A_38 = vector.load %arg4[%get3A_36, %get3A_37] : memref<2000x128xf32, #tpu.memory_space<vmem>>, vector<2000x128xf32>
    %mul3A_39 = arith.constant 5.000000e-01 : f32
    %mul3A_40 = vector.broadcast %mul3A_39 : f32 to vector<2000x128xf32>
    %mul3A_41 = arith.mulf %mul3A_40, %get3A_38 : vector<2000x128xf32>
    %add3A_42 = arith.addf %mul3A_35, %mul3A_41 : vector<2000x128xf32>
    %max3A = arith.constant 0.000000e+00 : f32
    %max3A_43 = vector.broadcast %max3A : f32 to vector<2000x128xf32>
    %max3A_44 = arith.maximumf %add3A_42, %max3A_43 : vector<2000x128xf32>
    %swap3A = arith.constant 0 : index
    %swap3A_45 = arith.constant 0 : index
    %swap3A_46 = vector.load %arg6[%swap3A, %swap3A_45] : memref<2000x128xf32, #tpu.memory_space<vmem>>, vector<2000x128xf32>
    tpu.vector_store %arg6[%swap3A, %swap3A_45], %max3A_44 {strides = array<i32>} : memref<2000x128xf32, #tpu.memory_space<vmem>>, vector<2000x128xf32>,
    return
  }
  func.func @transform_0(%arg0: i32) -> (i32, i32, i32) {
    %c0_i32 = arith.constant 0 : i32
    %c0_i32_0 = arith.constant 0 : i32
    %c0_i32_1 = arith.constant 0 : i32
    return %c0_i32, %arg0, %c0_i32_0 : i32, i32, i32
  }
  func.func @transform_1(%arg0: i32) -> (i32, i32, i32) {
    %c0_i32 = arith.constant 0 : i32
    %c0_i32_0 = arith.constant 0 : i32
    %c0_i32_1 = arith.constant 0 : i32
    return %c0_i32, %arg0, %c0_i32_0 : i32, i32, i32
  }
  func.func @transform_2(%arg0: i32) -> (i32, i32) {
    %c0_i32 = arith.constant 0 : i32
    %c0_i32_0 = arith.constant 0 : i32
    return %arg0, %c0_i32 : i32, i32
  }
  func.func @transform_3(%arg0: i32) -> (i32, i32) {
    %c0_i32 = arith.constant 0 : i32
    %c0_i32_0 = arith.constant 0 : i32
    return %arg0, %c0_i32 : i32, i32
  }
  func.func @transform_4(%arg0: i32) -> (i32, i32) {
    %c0_i32 = arith.constant 0 : i32
    %c0_i32_0 = arith.constant 0 : i32
    %c0_i32_1 = arith.constant 0 : i32
    return %c0_i32, %c0_i32_0 : i32, i32
  }
  func.func @transform_5(%arg0: i32) -> (i32, i32) {
    %c0_i32 = arith.constant 0 : i32
    %c0_i32_0 = arith.constant 0 : i32
    return %arg0, %c0_i32 : i32, i32
  }
}

</mosaic_0001>

<sc_bundles>
// kernel: kernel.10.cloned.1.call-start
scs
__scs_entry_jumppad:
0x0: {  	(pc) =	sbr.rel $0x88, $3  }
0x1: {  	(tag) =	ssettag $0x0;
	lr =	simm.s32 $0x1  }
0x2: {  	[smem:$0x3F9D] =	sst lr;
	_ =	strace $0xD0000000  }
0x3: {  	_ = 	snop  }
0x4: {  	_ = 	snop  }
0x5: {  	_ = 	snop  }
0x6: {  	_ = 	snop  }
0x7: {  	_ = 	snop  }
__scs_overlays_trampoline_lowered:
0x8: {  	[smem:$0x3FAC] =	sst s0  }
0x9: {  	[smem:$0x3FAD] =	sst s1  }
0xa: {  	[smem:$0x3FAE] =	sst s2  }
0xb: {  	[smem:$0x3FAF] =	sst s3  }
0xc: {  	[smem:$0x3FB0] =	sst s4  }
0xd: {  	[smem:$0x3FB1] =	sst s5  }
0xe: {  	[smem:$0x3FB2] =	sst s6  }
0xf: {  	[smem:$0x3FB3] =	sst s7  }
0x10: {  	[smem:$0x3FB4] =	sst s8  }
0x11: {  	[smem:$0x3FB5] =	sst s9;
	s0 =	simm.s32 @!p0 $0x0  }
0x12: {  	s1 =	sld [smem:$0x3F9B];
	s0 =	simm.s32 @p0 $0x1  }
0x13: {  	[smem:$0x3FB6] =	sst s0;
	s0 =	simm.s32 @!p1 $0x0  }
0x14: {  	s2 =	sld [smem:$0x3F9A];
	s0 =	simm.s32 @p1 $0x1  }
0x15: {  	[smem:$0x3FB7] =	sst s0;
	s0 =	simm.s32 @!p2 $0x0  }
0x16: {  	s3 =	sld [smem:$0x3FDB];
	s0 =	simm.s32 @p2 $0x1  }
0x17: {  	s4 =	simm.s32 $0x1BF5;
	[smem:$0x3FB9] =	sst s0  }
0x18: {  	s0 =	sld [smem:$0x3F9C];
	_ =	swait.ge [sflag:s4], $0x0  }
0x19: {  	s7 =	sld [smem:$0x3F9D]  }
0x1a: {  	s8 =	sadd.s32 $0xFFFFE003, lr  }
0x1b: {  	s9 =	sadd.s32 $0xFFFFFEF7, lr;
	s5 =	simm.s32 $0xFFFFFFFF;
	p2 =	slt.u32 s8, $0xFFFFF086  }
0x1c: {  	p1 =	slt.u32 s9, $0xF7A;
	s5 =	simm.s32 @!p2 $0x0  }
0x1d: {  	s5 =	simm.s32 @p1 $0x1;
	p0 =	seq.s32 s7, s2  }
0x1e: {  	s7 =	smul.u32 @!p0 $0xF7A, s2;
	p2 =	seq.s32 @!p0 s5, $0x0  }
0x1f: {  	s9 =	smul.u32 $0xF7A, s1;
	s8 =	simm.s32 @!p0 $0x1BF5;
	p2 =	por !p2, p0  }
0x20: {  	[sflag:s8] =	ssyncset.s32 @!p0 $0xFFFFF086;
	s6 =	sadd.s32 @!p0 s3, s7;
	s7 =	simm.s32 @!p0 $0x108  }
0x21: {  	s3 =	sadd.s32 s3, s9;
	s6 =	sadd.s32 @!p0 $0x88, s6;
	s7 =	simm.s32 @p2 $0x1082  }
0x22: {  	[simem:s7], [sflag:s8] =	dma.local @!p0 [hbm:s6], $0xF7A  }
0x23: {  	s9 =	sor.u32 $0xD0000000, s2;
	s6 =	simm.s32 $0x108;
	_ =	swait.ge @!p0 [sflag:s8], $0x0  }
0x24: {  	s3 =	sadd.s32 $0x88, s3;
	s6 =	simm.s32 @!p1 $0x1082;
	[sflag:s4] =	ssyncset.s32 $0xFFFFF086  }
0x25: {  	[simem:s6], [sflag:s4] =	dma.local [hbm:s3], $0xF7A  }
0x26: {  	[smem:$0x3F9D] =	sst s1;
	(tag) =	ssettag s2;
	_ =	strace s9  }
0x27: {  	s1 =	sld [smem:$0x3FAD]  }
0x28: {  	s2 =	sld [smem:$0x3FAE]  }
0x29: {  	s4 =	sld [smem:$0x3FB0]  }
0x2a: {  	p0 =	seq.s32 s5, $0x0;
	s5 =	sld [smem:$0x3FB1]  }
0x2b: {  	s6 =	sld [smem:$0x3FB2]  }
0x2c: {  	s7 =	sld [smem:$0x3FB3]  }
0x2d: {  	s3 =	simm.s32 $0x108;
	s8 =	sld [smem:$0x3FB4]  }
0x2e: {  	s3 =	simm.s32 @!p0 $0x1082;
	s9 =	sld [smem:$0x3FB5]  }
0x2f: {  	lr =	sadd.s32 s0, s3;
	s0 =	sld [smem:$0x3FAC]  }
0x30: {  	s3 =	sld [smem:$0x3FAF]  }
0x31: {  	[smem:$0x3FB8] =	sst s10  }
0x32: {  	s10 =	sld [smem:$0x3FB6];
	_ =	sdelay $0x3  }
0x33: {  	p0 =	seq.s32 s10, $0x1;
	s10 =	sld [smem:$0x3FB8];
	_ =	sdelay $0x3  }
0x34: {  	[smem:$0x3FB8] =	sst s10  }
0x35: {  	s10 =	sld [smem:$0x3FB7];
	_ =	sdelay $0x3  }
0x36: {  	p1 =	seq.s32 s10, $0x1;
	s10 =	sld [smem:$0x3FB8];
	_ =	sdelay $0x3  }
0x37: {  	[smem:$0x3FB8] =	sst s10  }
0x38: {  	s10 =	sld [smem:$0x3FB9]  }
0x39: {  	_ = 	snop;
	(pc) =	sbr.ind lr, $3  }
0x3a: {  	_ = 	snop  }
0x3b: {  	_ = 	snop  }
0x3c: {  	p2 =	seq.s32 s10, $0x1;
	s10 =	sld [smem:$0x3FB8]  }
0x3d: {  	_ =	shalt  }
0x3e: {  	_ =	shalt  }
0x3f: {  	_ =	shalt  }
0x40: {  	_ =	shalt  }
0x41: {  	_ =	shalt  }
0x42: {  	_ =	shalt  }
0x43: {  	_ =	shalt  }
0x44: {  	_ =	shalt  }
0x45: {  	_ =	shalt  }
0x46: {  	_ =	shalt  }
0x47: {  	_ =	shalt  }
0x48: {  	_ =	shalt  }
0x49: {  	_ =	shalt  }
0x4a: {  	_ =	shalt  }
0x4b: {  	_ =	shalt  }
0x4c: {  	_ =	shalt  }
0x4d: {  	_ =	shalt  }
0x4e: {  	_ =	shalt  }
0x4f: {  	_ =	shalt  }
0x50: {  	_ =	shalt  }
0x51: {  	_ =	shalt  }
0x52: {  	_ =	shalt  }
0x53: {  	_ =	shalt  }
0x54: {  	_ =	shalt  }
0x55: {  	_ =	shalt  }
0x56: {  	_ =	shalt  }
0x57: {  	_ =	shalt  }
0x58: {  	_ =	shalt  }
0x59: {  	_ =	shalt  }
0x5a: {  	_ =	shalt  }
0x5b: {  	_ =	shalt  }
0x5c: {  	_ =	shalt  }
0x5d: {  	_ =	shalt  }
0x5e: {  	_ =	shalt  }
0x5f: {  	_ =	shalt  }
0x60: {  	_ =	shalt  }
0x61: {  	_ =	shalt  }
0x62: {  	_ =	shalt  }
0x63: {  	_ =	shalt  }
0x64: {  	_ =	shalt  }
0x65: {  	_ =	shalt  }
0x66: {  	_ =	shalt  }
0x67: {  	_ =	shalt  }
0x68: {  	_ =	shalt  }
0x69: {  	_ =	shalt  }
0x6a: {  	_ =	shalt  }
0x6b: {  	_ =	shalt  }
0x6c: {  	_ =	shalt  }
0x6d: {  	_ =	shalt  }
0x6e: {  	_ =	shalt  }
0x6f: {  	_ =	shalt  }
0x70: {  	_ =	shalt  }
0x71: {  	_ =	shalt  }
0x72: {  	_ =	shalt  }
0x73: {  	_ =	shalt  }
0x74: {  	_ =	shalt  }
0x75: {  	_ =	shalt  }
0x76: {  	_ =	shalt  }
0x77: {  	_ =	shalt  }
0x78: {  	_ =	shalt  }
0x79: {  	_ =	shalt  }
0x7a: {  	_ =	shalt  }
0x7b: {  	_ =	shalt  }
0x7c: {  	_ =	shalt  }
0x7d: {  	_ =	shalt  }
0x7e: {  	_ =	shalt  }
0x7f: {  	_ =	shalt  }
0x80: {  	_ =	shalt  }
0x81: {  	_ =	shalt  }
0x82: {  	_ =	shalt  }
0x83: {  	_ =	shalt  }
0x84: {  	_ =	shalt  }
0x85: {  	_ =	shalt  }
0x86: {  	_ =	shalt  }
0x87: {  	_ =	shalt  }
.Lfunc_end0:
.L_simem_size_0:
called_computation.1_lowered:
.L_overlay_start_0:
0x88: {  	s2 =	sld [smem:$0x3FD9]  }
0x89: {  	s3 =	sld [smem:$0x3FFE];
	_ =	sdelay $0x1  }
0x8a: {  	s1 =	srdreg.scid  }
0x8b: {  	s0 =	sand.u32 $0x1, s1  }
0x8c: {  	s17 =	sshll.u32 s0, $0xA;
	s2 =	sadd.s32 s3, s2  }
0x8d: {  	s2 =	sadd.s32 s2, s17  }
0x8e: {  	[smem:$0x3FC4] =	sst s2  }
0x8f: {  	_ = 	snop  }
0x90: {  	s2 =	sld [smem:$0x3FD0];
	(tm) =	ssettm $0x1  }
0x91: {  	s18 =	sld [smem:$0x3FFB];
	_ =	sdelay $0x3  }
0x92: {  	_ =	strace s18  }
0x93: {  	s3 =	sld [smem:$0x3FFC];
	_ =	sdelay $0x3  }
0x94: {  	_ =	strace s3  }
0x95: {  	s3 =	sld [smem:$0x3FFD];
	_ =	sdelay $0x3  }
0x96: {  	_ =	strace s3  }
0x97: {  	_ =	strace $0x8FFFFFFF  }
0x98: {  	s19 =	sld [smem:$0x3FDB];
	_ =	sdelay $0x1  }
0x99: {  	s4 =	simm.s32 $_scs_section_size  }
0x9a: {  	s5 =	simm.s32 $_size__tile_overlayer_lowered;
	s6 =	simm.s32 $_tile_overlayer_lowered  }
0x9b: {  	s22 =	simm.s32 $0x1BFF;
	s21 =	sshll.u32 s6, $0x1;
	s3 =	sadd.s32 s4, s19  }
0x9c: {  	s7 =	simm.s32 $0x0;
	s20 =	sshll.u32 s5, $0x1;
	s5 =	sadd.s32 s21, s3  }
0x9d: {  	[timem:s7], [sflag:s22] =	dma.local [hbm:s5], s20  }
0x9e: {  	_ =	swait.ge [sflag:s22], s20  }
0x9f: {  	s4 =	ssub.s32 $0x0, s20;
	[sflag:s22] =	ssyncset.done $0x0  }
0xa0: {  	[sflag:s22] =	ssyncadd.s32 s4;
	_ =	sdelay $0x1  }
0xa1: {  	s23 =	simm.s32 $0x1B8B  }
0xa2: {  	_ =	swait.ge [sflag:s23], $0x1  }
0xa3: {  	[sflag:s23] =	ssyncset.done $0x0  }
0xa4: {  	s25 =	simm.s32 $0x1B8E;
	s24 =	sld [smem:$0x3FFE];
	[sflag:s23] =	ssyncadd.s32 $0xFFFFFFFF  }
0xa5: {  	s26 =	simm.s32 $execute0_lowered;
	[smem:$0x3FD2] =	sst s25  }
0xa6: {  	s5 =	sshll.u32 s26, $0x1;
	_ =	strace $0x80000049;
	[dreg:$0x1] =	wrdreg $0xFFFFFFFF  }
0xa7: {  	s28 =	simm.s32 $_size_execute0_lowered;
	s3 =	sadd.s32 s3, s5;
	[dreg:$0x0] =	wrdreg $0x0  }
0xa8: {  	s5 =	sshll.u32 s28, $0x1;
	[dreg:$0x2] =	wrdreg s3  }
0xa9: {  	[dreg:$0x3] =	wrdreg s5  }
0xaa: {  	[dreg:$0x4] =	wrdreg $0xC0  }
0xab: {  	_ =	task [dreg:s7], $0x5FFFF  }
0xac: {  	[dreg:$0x1] =	wrdreg $0xFFFFFFFF  }
0xad: {  	[dreg:$0x0] =	wrdreg $0x60  }
0xae: {  	[dreg:$0x2] =	wrdreg s2  }
0xaf: {  	[dreg:$0x3] =	wrdreg s24  }
0xb0: {  	[dreg:$0x4] =	wrdreg $0x90000  }
0xb1: {  	[dreg:$0x5] =	wrdreg $0x9  }
0xb2: {  	_ =	task.clear_ibuf [dreg:s7], $0x6FFFF;
	_ =	strace $0x90000049  }
0xb3: {  	s29 =	simm.s32 $0x9;
	_ =	strace $0x8000004B  }
0xb4: {  	_ =	swait.ge [sflag:s29], $0x1  }
0xb5: {  	[sflag:s29] =	ssyncadd.s32 $0xFFFFFFFF  }
0xb6: {  	_ =	strace $0x9000004B  }
0xb7: {  	_ =	sfence  }
0xb8: {  	s30 =	sld [smem:$0x0];
	_ =	sdelay $0x2  }
0xb9: {  	s31 =	sshll.u32 s1, $0xD;
	s1 =	sshrl.u32 s1, $0x2  }
0xba: {  	s3 =	sand.u32 $0x4000, s31;
	s1 =	sadd.s32 s1, s30  }
0xbb: {  	s0 =	sor.u32 s3, s0;
	s1 =	sshll.u32 s1, $0x11  }
0xbc: {  	s0 =	sor.u32 s1, s0  }
0xbd: {  	s0 =	sadd.s32 $0x8F2B, s0  }
0xbe: {  	[sflag:s0] =	ssyncadd.remote.s32 $0x1  }
0xbf: {  	_ =	sfence.sel $0xFFFF  }
0xc0: {  	[dreg:$0x0] =	wrdreg $0xFFFFFFFF;
	(pc) =	sbr.abs _section_cstart, $3  }
0xc1: {  	[dreg:$0x1] =	wrdreg $0xFFFFFFFF  }
0xc2: {  	_ =	task.clear_ibuf [dreg:s7], $0x2FFFF;
	_ =	strace $0x9FFFFFFF  }
0xc3: {  	(tm) =	ssettm $0x7FFFFFFF  }
tec
execute0_lowered:
.L_overlay_start_1:
0x0: {  	(tag) =	ssettag $0x1  }
0x1: {  	s1 =	rddreg [dreg:$0x0]  }
0x2: {  	s5 =	rddreg [dreg:$0x1]  }
0x3: {  	s2 =	rddreg [dreg:$0x2]  }
0x4: {  	s3 =	srdreg.scid;
	s0 =	rddreg [dreg:$0x3];
	s4 =	simm.s32 $0x0  }
0x5: {  	s13 =	simm.s32 $0x1;
	s14 =	simm.s32 $0x5000;
	s15 =	simm.s32 $0x80  }
0x6: {  	s18 =	simm.s32 $0x0;
	s6 =	sand.u32 $0x1, s3;
	s3 =	stileid.u32  }
0x7: {  	[smem:$0x7FF] =	sst s4;
	s7 =	sshll.u32 s6, $0x4;
	s8 =	smul.u32 $0x140000, s6  }
0x8: {  	s9 =	smul.u32 $0x14000, s3;
	_ =	strace $0x8000004A;
	s6 =	ssub.s32 $0x2, s6  }
0x9: {  	s30 =	smul.u32 $0x50000, s3;
	s16 =	sshll.u32 s3, $0x6;
	s7 =	sor.u32 s3, s7  }
0xa: {  	s10 =	sshrl.u32 s6, $0x1;
	s16 =	sor.u32 $0x1C01, s16;
	s7 =	smul.u32 $0xA00, s7  }
0xb: {  	s8 =	sadd.s32 s9, s8;
	s10 =	ssub.s32 s6, s10;
	s31 =	sshrl.u32 s30, $0x2  }
0xc: {  	s8 =	sshrl.u32 s8, $0x3;
	s6 =	sadd.s32 s31, s2;
	s7 =	sadd.s32 s7, s5  }
0xd: {  	s8 =	sadd.s32 s8, s5;
	s9 =	sadd.s32 $0x4000, s6;
	s11 =	sadd.s32 $0xC000, s6  }
0xe: {  	s12 =	sadd.s32 $0x10000, s6;
	s17 =	sshrl.u32 s6, $0x3;
	s5 =	sadd.s32 $0x1E00, s7  }
0xf: {  	v0 =	vimm.f32 $0.0e+00;
	s7 =	sadd.s32 $0x15E00, s8;
	s8 =	smax.u32 s10, $0x1;
	s10 =	sadd.s32 $0x8000, s6  }
.LBB2_1:
0x10: {  	[tilespmem:s4], [sflag:$0x1] =	stream.linear.gather [hbm4b:s5+s4], $0x5000, $0x38;
	[tilespmem:$0x1D000] =	vst v63  }
0x11: {  	s19 =	simm.s32 $0x0  }
0x12: {  	s20 =	sand.u32 $0xFFFFFF80, s19  }
0x13: {  	_ =	swait.ge [sflag:s13], $0x5000;
	s20 =	ssub.s32 $0x0, s20  }
0x14: {  	s19 =	sand.u32 $0x3FFFFF80, s19;
	[sflag:s13] =	ssyncset.done $0x0;
	s20 =	sand.u32 $0xFFFFFF80, s20  }
0x15: {  	s21 =	sand.u32 $0x70, s4;
	[sflag:s13] =	ssyncadd.s32 $0xFFFFB000;
	s20 =	sadd.s32 s20, s19  }
0x16: {  	s19 =	simm.s32 $0x1;
	s21 =	sor.u32 s21, s20;
	s20 =	simm.s32 $0x0  }
.LBB2_2:
0x17: {  	s22 =	sshll.u32 s19, $0x4;
	p0 =	sne.s32 s19, $0x3FF;
	s19 =	sadd.s32 $0x1, s19;
	[tilespmem:s21+$0x5000] =	vst v0  }
.Ltmp0:
0x18: {  	s20 =	sadd.s32 $0x10, s20;
	s21 =	sand.u32 $0xFFFFFF80, s22;
	(pc) =	sbr.rel @p0 .LBB2_2-.Ltmp0, $4  }
0x19: {  	s21 =	ssub.s32 s20, s21  }
0x1a: {  	s22 =	sand.u32 $0x3FFFFF80, s22;
	s21 =	sand.u32 $0xFFFFFF80, s21  }
0x1b: {  	s23 =	sand.u32 $0x70, s20;
	s21 =	sadd.s32 s21, s22  }
0x1c: {  	s21 =	sor.u32 s23, s21  }
0x1d: {  	[tilespmem:s21+$0x5000] =	vst v0  }
0x1e: {  	[spmem:s6] =	stream.linear.scatter [tilespmem:s14], [sflag:$0x1], $0x4000, $0x38;
	[tilespmem:$0x1D000] =	vst v63  }
0x1f: {  	_ =	swait.ge [sflag:s13], $0x4000  }
0x20: {  	[sflag:s13] =	ssyncset.done $0x0  }
0x21: {  	[sflag:s13] =	ssyncadd.s32 $0xFFFFC000  }
0x22: {  	[spmem:s9] =	stream.linear.scatter [tilespmem:s14], [sflag:$0x1], $0x4000, $0x38;
	[tilespmem:$0x1D000] =	vst v63  }
0x23: {  	_ =	swait.ge [sflag:s13], $0x4000  }
0x24: {  	[sflag:s13] =	ssyncset.done $0x0  }
0x25: {  	[sflag:s13] =	ssyncadd.s32 $0xFFFFC000  }
0x26: {  	[spmem:s10] =	stream.linear.scatter [tilespmem:s14], [sflag:$0x1], $0x4000, $0x38;
	[tilespmem:$0x1D000] =	vst v63  }
0x27: {  	_ =	swait.ge [sflag:s13], $0x4000  }
0x28: {  	[sflag:s13] =	ssyncset.done $0x0  }
0x29: {  	[sflag:s13] =	ssyncadd.s32 $0xFFFFC000  }
0x2a: {  	[spmem:s11] =	stream.linear.scatter [tilespmem:s14], [sflag:$0x1], $0x4000, $0x38;
	[tilespmem:$0x1D000] =	vst v63  }
0x2b: {  	_ =	swait.ge [sflag:s13], $0x4000  }
0x2c: {  	[sflag:s13] =	ssyncset.done $0x0  }
0x2d: {  	[sflag:s13] =	ssyncadd.s32 $0xFFFFC000  }
0x2e: {  	[spmem:s12] =	stream.linear.scatter [tilespmem:s14], [sflag:$0x1], $0x4000, $0x38;
	[tilespmem:$0x1D000] =	vst v63  }
0x2f: {  	_ =	swait.ge [sflag:s13], $0x4000  }
0x30: {  	[sflag:s13] =	ssyncset.done $0x0  }
0x31: {  	[sflag:s13] =	ssyncadd.s32 $0xFFFFC000  }
0x32: {  	s19 =	simm.s32 $0x0;
	[bflag:$0x0] =	sbarrier.arrive $0xFFFF  }
0x33: {  	[tilespmem:s14], [sflag:$0x1] =	stream.indirect.gather [hbm4b:s1+s15], $0x80, s19, s15, $0xb8;
	[tilespmem:$0x1D000] =	vst v63  }
0x34: {  	_ =	swait.ge [sflag:s13], $0x4000  }
0x35: {  	[sflag:s13] =	ssyncset.done $0x0  }
0x36: {  	s31 =	simm.s32 $0x2800;
	[sflag:s13] =	ssyncadd.s32 $0xFFFFC000  }
0x37: {  	[spmem:s2] =	stream.indirect.scatter.add.f32 [tilespmem:s14], [sflag:$0x1], $0x80, s31, s15, $0xb8;
	[tilespmem:$0x1D000] =	vst v63  }
0x38: {  	_ =	swait.ge [sflag:s13], $0x4000  }
0x39: {  	s20 =	simm.s32 $0x400;
	s19 =	simm.s32 $0x200;
	[sflag:s13] =	ssyncset.done $0x0  }
.LBB2_4:
0x3a: {  	s21 =	sshra.s32 s19, $0x2  }
0x3b: {  	[sflag:s13] =	ssyncadd.s32 $0xFFFFC000;
	s19 =	smov.u32 s20;
	s22 =	sadd.s32 $0x200, s20  }
0x3c: {  	[tilespmem:s14], [sflag:$0x1] =	stream.indirect.gather [hbm4b:s1+s15], $0x80, s21, s15, $0xb8;
	[tilespmem:$0x1D000] =	vst v63  }
0x3d: {  	p0 =	sne.s32 s20, $0x9E00;
	_ =	swait.ge [sflag:s13], $0x4000  }
.Ltmp1:
0x3e: {  	[sflag:s13] =	ssyncset.done $0x0;
	(pc) =	sbr.rel @p0 .LBB2_4-.Ltmp1, $4  }
0x3f: {  	s20 =	sadd.s32 $0x2800, s21;
	[sflag:s13] =	ssyncadd.s32 $0xFFFFC000  }
0x40: {  	[spmem:s2] =	stream.indirect.scatter.add.f32 [tilespmem:s14], [sflag:$0x1], $0x80, s20, s15, $0xb8;
	[tilespmem:$0x1D000] =	vst v63  }
0x41: {  	_ =	swait.ge [sflag:s13], $0x4000  }
0x42: {  	s20 =	smov.u32 s22;
	[sflag:s13] =	ssyncset.done $0x0  }
0x43: {  	s19 =	sshra.s32 s19, $0x2;
	[sflag:s13] =	ssyncadd.s32 $0xFFFFC000  }
0x44: {  	[tilespmem:s14], [sflag:$0x1] =	stream.indirect.gather [hbm4b:s1+s15], $0x80, s19, s15, $0xb8;
	[tilespmem:$0x1D000] =	vst v63  }
0x45: {  	_ =	swait.ge [sflag:s13], $0x4000  }
0x46: {  	[sflag:s13] =	ssyncset.done $0x0  }
0x47: {  	s19 =	sadd.s32 $0x2800, s19;
	[sflag:s13] =	ssyncadd.s32 $0xFFFFC000  }
0x48: {  	[spmem:s2] =	stream.indirect.scatter.add.f32 [tilespmem:s14], [sflag:$0x1], $0x80, s19, s15, $0xb8;
	[tilespmem:$0x1D000] =	vst v63  }
0x49: {  	_ =	swait.ge [sflag:s13], $0x4000  }
0x4a: {  	s18 =	sadd.s32 $0x1, s18;
	[sflag:s13] =	ssyncset.done $0x0  }
0x4b: {  	p0 =	sne.s32 s18, s8;
	[sflag:s13] =	ssyncadd.s32 $0xFFFFC000  }
.Ltmp2:
0x4c: {  	[bflag:$0x0] =	sbarrier.arrive $0xFFFF;
	(pc) =	sbr.rel @p0 .LBB2_1-.Ltmp2, $4  }
0x4d: {  	[hbm:s7], [sflag:s16] =	dma.local [spmem:s17], $0x2800  }
0x4e: {  	_ =	swait.ge [sflag:s13], $0x2800  }
0x4f: {  	[sflag:s13] =	ssyncset.done $0x0  }
0x50: {  	[sflag:s13] =	ssyncadd.s32 $0xFFFFD800  }
0x51: {  	_ =	sfence.sel $0x180000  }
0x52: {  	[bflag:$0x0] =	sbarrier.arrive $0xFFFF  }
0x53: {  	p0 =	sne.s32 s3, $0x0;
	_ =	strace $0x9000004A  }
0x54: {  	s0 =	sadd.s32 @!p0 $0x100000, s0;
	[bflag:$0x2] =	sbarrier.arrive $0xFFFF  }
0x55: {  	[sflag:s0] =	ssyncadd.tile.s32 @!p0 $0x1;
	_ =	shalt  }
.Lfunc_end2:
_tile_overlayer_lowered:
.L_overlay_start_2:
0x56: {  	(tag) =	ssettag $0x2  }
0x57: {  	s0 =	rddreg [dreg:$0x0];
	s2 =	stileid.u32  }
0x58: {  	s1 =	rddreg [dreg:$0x1];
	p0 =	sne.s32 s2, $0x0  }
0x59: {  	s3 =	rddreg [dreg:$0x2];
	[bflag:$0x3] =	sbarrier.arrive $0xFFFF;
	s2 =	simm.s32 @!p0 $0x1C01  }
0x5a: {  	[timem:s3], [sflag:s2] =	dma.local @!p0 [hbm:s0], s1  }
0x5b: {  	s0 =	simm.s32 @!p0 $0x1  }
0x5c: {  	_ =	swait.ge @!p0 [sflag:s0], s1  }
0x5d: {  	s1 =	ssub.s32 @!p0 $0x0, s1;
	[sflag:s0] =	ssyncset.done @!p0 $0x0  }
0x5e: {  	[sflag:s0] =	ssyncadd.s32 @!p0 s1  }
0x5f: {  	[bflag:$0x3] =	sbarrier.arrive $0xFFFF  }
0x60: {  	_ =	shalt  }

// kernel: kernel.7.cloned.1.call-start
scs
__scs_entry_jumppad:
0x0: {  	(pc) =	sbr.rel $0x88, $3  }
0x1: {  	(tag) =	ssettag $0x0;
	lr =	simm.s32 $0x1  }
0x2: {  	[smem:$0x3F9D] =	sst lr;
	_ =	strace $0xD0000000  }
0x3: {  	_ = 	snop  }
0x4: {  	_ = 	snop  }
0x5: {  	_ = 	snop  }
0x6: {  	_ = 	snop  }
0x7: {  	_ = 	snop  }
__scs_overlays_trampoline_lowered:
0x8: {  	[smem:$0x3FAC] =	sst s0  }
0x9: {  	[smem:$0x3FAD] =	sst s1  }
0xa: {  	[smem:$0x3FAE] =	sst s2  }
0xb: {  	[smem:$0x3FAF] =	sst s3  }
0xc: {  	[smem:$0x3FB0] =	sst s4  }
0xd: {  	[smem:$0x3FB1] =	sst s5  }
0xe: {  	[smem:$0x3FB2] =	sst s6  }
0xf: {  	[smem:$0x3FB3] =	sst s7  }
0x10: {  	[smem:$0x3FB4] =	sst s8  }
0x11: {  	[smem:$0x3FB5] =	sst s9;
	s0 =	simm.s32 @!p0 $0x0  }
0x12: {  	s1 =	sld [smem:$0x3F9B];
	s0 =	simm.s32 @p0 $0x1  }
0x13: {  	[smem:$0x3FB6] =	sst s0;
	s0 =	simm.s32 @!p1 $0x0  }
0x14: {  	s2 =	sld [smem:$0x3F9A];
	s0 =	simm.s32 @p1 $0x1  }
0x15: {  	[smem:$0x3FB7] =	sst s0;
	s0 =	simm.s32 @!p2 $0x0  }
0x16: {  	s3 =	sld [smem:$0x3FDB];
	s0 =	simm.s32 @p2 $0x1  }
0x17: {  	s4 =	simm.s32 $0x1BF5;
	[smem:$0x3FB9] =	sst s0  }
0x18: {  	s0 =	sld [smem:$0x3F9C];
	_ =	swait.ge [sflag:s4], $0x0  }
0x19: {  	s7 =	sld [smem:$0x3F9D]  }
0x1a: {  	s8 =	sadd.s32 $0xFFFFE003, lr  }
0x1b: {  	s9 =	sadd.s32 $0xFFFFFEF7, lr;
	s5 =	simm.s32 $0xFFFFFFFF;
	p2 =	slt.u32 s8, $0xFFFFF086  }
0x1c: {  	p1 =	slt.u32 s9, $0xF7A;
	s5 =	simm.s32 @!p2 $0x0  }
0x1d: {  	s5 =	simm.s32 @p1 $0x1;
	p0 =	seq.s32 s7, s2  }
0x1e: {  	s7 =	smul.u32 @!p0 $0xF7A, s2;
	p2 =	seq.s32 @!p0 s5, $0x0  }
0x1f: {  	s9 =	smul.u32 $0xF7A, s1;
	s8 =	simm.s32 @!p0 $0x1BF5;
	p2 =	por !p2, p0  }
0x20: {  	[sflag:s8] =	ssyncset.s32 @!p0 $0xFFFFF086;
	s6 =	sadd.s32 @!p0 s3, s7;
	s7 =	simm.s32 @!p0 $0x108  }
0x21: {  	s3 =	sadd.s32 s3, s9;
	s6 =	sadd.s32 @!p0 $0x88, s6;
	s7 =	simm.s32 @p2 $0x1082  }
0x22: {  	[simem:s7], [sflag:s8] =	dma.local @!p0 [hbm:s6], $0xF7A  }
0x23: {  	s9 =	sor.u32 $0xD0000000, s2;
	s6 =	simm.s32 $0x108;
	_ =	swait.ge @!p0 [sflag:s8], $0x0  }
0x24: {  	s3 =	sadd.s32 $0x88, s3;
	s6 =	simm.s32 @!p1 $0x1082;
	[sflag:s4] =	ssyncset.s32 $0xFFFFF086  }
0x25: {  	[simem:s6], [sflag:s4] =	dma.local [hbm:s3], $0xF7A  }
0x26: {  	[smem:$0x3F9D] =	sst s1;
	(tag) =	ssettag s2;
	_ =	strace s9  }
0x27: {  	s1 =	sld [smem:$0x3FAD]  }
0x28: {  	s2 =	sld [smem:$0x3FAE]  }
0x29: {  	s4 =	sld [smem:$0x3FB0]  }
0x2a: {  	p0 =	seq.s32 s5, $0x0;
	s5 =	sld [smem:$0x3FB1]  }
0x2b: {  	s6 =	sld [smem:$0x3FB2]  }
0x2c: {  	s7 =	sld [smem:$0x3FB3]  }
0x2d: {  	s3 =	simm.s32 $0x108;
	s8 =	sld [smem:$0x3FB4]  }
0x2e: {  	s3 =	simm.s32 @!p0 $0x1082;
	s9 =	sld [smem:$0x3FB5]  }
0x2f: {  	lr =	sadd.s32 s0, s3;
	s0 =	sld [smem:$0x3FAC]  }
0x30: {  	s3 =	sld [smem:$0x3FAF]  }
0x31: {  	[smem:$0x3FB8] =	sst s10  }
0x32: {  	s10 =	sld [smem:$0x3FB6];
	_ =	sdelay $0x3  }
0x33: {  	p0 =	seq.s32 s10, $0x1;
	s10 =	sld [smem:$0x3FB8];
	_ =	sdelay $0x3  }
0x34: {  	[smem:$0x3FB8] =	sst s10  }
0x35: {  	s10 =	sld [smem:$0x3FB7];
	_ =	sdelay $0x3  }
0x36: {  	p1 =	seq.s32 s10, $0x1;
	s10 =	sld [smem:$0x3FB8];
	_ =	sdelay $0x3  }
0x37: {  	[smem:$0x3FB8] =	sst s10  }
0x38: {  	s10 =	sld [smem:$0x3FB9]  }
0x39: {  	_ = 	snop;
	(pc) =	sbr.ind lr, $3  }
0x3a: {  	_ = 	snop  }
0x3b: {  	_ = 	snop  }
0x3c: {  	p2 =	seq.s32 s10, $0x1;
	s10 =	sld [smem:$0x3FB8]  }
0x3d: {  	_ =	shalt  }
0x3e: {  	_ =	shalt  }
0x3f: {  	_ =	shalt  }
0x40: {  	_ =	shalt  }
0x41: {  	_ =	shalt  }
0x42: {  	_ =	shalt  }
0x43: {  	_ =	shalt  }
0x44: {  	_ =	shalt  }
0x45: {  	_ =	shalt  }
0x46: {  	_ =	shalt  }
0x47: {  	_ =	shalt  }
0x48: {  	_ =	shalt  }
0x49: {  	_ =	shalt  }
0x4a: {  	_ =	shalt  }
0x4b: {  	_ =	shalt  }
0x4c: {  	_ =	shalt  }
0x4d: {  	_ =	shalt  }
0x4e: {  	_ =	shalt  }
0x4f: {  	_ =	shalt  }
0x50: {  	_ =	shalt  }
0x51: {  	_ =	shalt  }
0x52: {  	_ =	shalt  }
0x53: {  	_ =	shalt  }
0x54: {  	_ =	shalt  }
0x55: {  	_ =	shalt  }
0x56: {  	_ =	shalt  }
0x57: {  	_ =	shalt  }
0x58: {  	_ =	shalt  }
0x59: {  	_ =	shalt  }
0x5a: {  	_ =	shalt  }
0x5b: {  	_ =	shalt  }
0x5c: {  	_ =	shalt  }
0x5d: {  	_ =	shalt  }
0x5e: {  	_ =	shalt  }
0x5f: {  	_ =	shalt  }
0x60: {  	_ =	shalt  }
0x61: {  	_ =	shalt  }
0x62: {  	_ =	shalt  }
0x63: {  	_ =	shalt  }
0x64: {  	_ =	shalt  }
0x65: {  	_ =	shalt  }
0x66: {  	_ =	shalt  }
0x67: {  	_ =	shalt  }
0x68: {  	_ =	shalt  }
0x69: {  	_ =	shalt  }
0x6a: {  	_ =	shalt  }
0x6b: {  	_ =	shalt  }
0x6c: {  	_ =	shalt  }
0x6d: {  	_ =	shalt  }
0x6e: {  	_ =	shalt  }
0x6f: {  	_ =	shalt  }
0x70: {  	_ =	shalt  }
0x71: {  	_ =	shalt  }
0x72: {  	_ =	shalt  }
0x73: {  	_ =	shalt  }
0x74: {  	_ =	shalt  }
0x75: {  	_ =	shalt  }
0x76: {  	_ =	shalt  }
0x77: {  	_ =	shalt  }
0x78: {  	_ =	shalt  }
0x79: {  	_ =	shalt  }
0x7a: {  	_ =	shalt  }
0x7b: {  	_ =	shalt  }
0x7c: {  	_ =	shalt  }
0x7d: {  	_ =	shalt  }
0x7e: {  	_ =	shalt  }
0x7f: {  	_ =	shalt  }
0x80: {  	_ =	shalt  }
0x81: {  	_ =	shalt  }
0x82: {  	_ =	shalt  }
0x83: {  	_ =	shalt  }
0x84: {  	_ =	shalt  }
0x85: {  	_ =	shalt  }
0x86: {  	_ =	shalt  }
0x87: {  	_ =	shalt  }
.Lfunc_end0:
.L_simem_size_0:
called_computation_lowered:
.L_overlay_start_0:
0x88: {  	s2 =	sld [smem:$0x3FD9]  }
0x89: {  	s3 =	sld [smem:$0x3FFE];
	_ =	sdelay $0x1  }
0x8a: {  	s1 =	srdreg.scid  }
0x8b: {  	s0 =	sand.u32 $0x1, s1  }
0x8c: {  	s17 =	sshll.u32 s0, $0xA;
	s2 =	sadd.s32 s3, s2  }
0x8d: {  	s2 =	sadd.s32 s2, s17  }
0x8e: {  	[smem:$0x3FC4] =	sst s2  }
0x8f: {  	_ = 	snop  }
0x90: {  	s2 =	sld [smem:$0x3FD0];
	(tm) =	ssettm $0x1  }
0x91: {  	s18 =	sld [smem:$0x3FFB];
	_ =	sdelay $0x3  }
0x92: {  	_ =	strace s18  }
0x93: {  	s3 =	sld [smem:$0x3FFC];
	_ =	sdelay $0x3  }
0x94: {  	_ =	strace s3  }
0x95: {  	s3 =	sld [smem:$0x3FFD];
	_ =	sdelay $0x3  }
0x96: {  	_ =	strace s3  }
0x97: {  	_ =	strace $0x8FFFFFFF  }
0x98: {  	s19 =	sld [smem:$0x3FDB];
	_ =	sdelay $0x1  }
0x99: {  	s4 =	simm.s32 $_scs_section_size  }
0x9a: {  	s5 =	simm.s32 $_size__tile_overlayer_lowered;
	s6 =	simm.s32 $_tile_overlayer_lowered  }
0x9b: {  	s22 =	simm.s32 $0x1BFF;
	s21 =	sshll.u32 s6, $0x1;
	s3 =	sadd.s32 s4, s19  }
0x9c: {  	s7 =	simm.s32 $0x0;
	s20 =	sshll.u32 s5, $0x1;
	s5 =	sadd.s32 s21, s3  }
0x9d: {  	[timem:s7], [sflag:s22] =	dma.local [hbm:s5], s20  }
0x9e: {  	_ =	swait.ge [sflag:s22], s20  }
0x9f: {  	s4 =	ssub.s32 $0x0, s20;
	[sflag:s22] =	ssyncset.done $0x0  }
0xa0: {  	[sflag:s22] =	ssyncadd.s32 s4;
	_ =	sdelay $0x1  }
0xa1: {  	s23 =	simm.s32 $0x1B8B  }
0xa2: {  	_ =	swait.ge [sflag:s23], $0x1  }
0xa3: {  	[sflag:s23] =	ssyncset.done $0x0  }
0xa4: {  	s25 =	simm.s32 $0x1B8E;
	s24 =	sld [smem:$0x3FFE];
	[sflag:s23] =	ssyncadd.s32 $0xFFFFFFFF  }
0xa5: {  	s26 =	simm.s32 $execute0_lowered;
	[smem:$0x3FD2] =	sst s25  }
0xa6: {  	s5 =	sshll.u32 s26, $0x1;
	_ =	strace $0x80000046;
	[dreg:$0x1] =	wrdreg $0xFFFFFFFF  }
0xa7: {  	s28 =	simm.s32 $_size_execute0_lowered;
	s3 =	sadd.s32 s3, s5;
	[dreg:$0x0] =	wrdreg $0x0  }
0xa8: {  	s5 =	sshll.u32 s28, $0x1;
	[dreg:$0x2] =	wrdreg s3  }
0xa9: {  	[dreg:$0x3] =	wrdreg s5  }
0xaa: {  	[dreg:$0x4] =	wrdreg $0xC0  }
0xab: {  	_ =	task [dreg:s7], $0x5FFFF  }
0xac: {  	[dreg:$0x1] =	wrdreg $0xFFFFFFFF  }
0xad: {  	[dreg:$0x0] =	wrdreg $0x60  }
0xae: {  	[dreg:$0x2] =	wrdreg s2  }
0xaf: {  	[dreg:$0x3] =	wrdreg s24  }
0xb0: {  	[dreg:$0x4] =	wrdreg $0x2B000  }
0xb1: {  	[dreg:$0x5] =	wrdreg $0x9  }
0xb2: {  	_ =	task.clear_ibuf [dreg:s7], $0x6FFFF;
	_ =	strace $0x90000046  }
0xb3: {  	s29 =	simm.s32 $0x9;
	_ =	strace $0x80000048  }
0xb4: {  	_ =	swait.ge [sflag:s29], $0x1  }
0xb5: {  	[sflag:s29] =	ssyncadd.s32 $0xFFFFFFFF  }
0xb6: {  	_ =	strace $0x90000048  }
0xb7: {  	_ =	sfence  }
0xb8: {  	s30 =	sld [smem:$0x0];
	_ =	sdelay $0x2  }
0xb9: {  	s31 =	sshll.u32 s1, $0xD;
	s1 =	sshrl.u32 s1, $0x2  }
0xba: {  	s3 =	sand.u32 $0x4000, s31;
	s1 =	sadd.s32 s1, s30  }
0xbb: {  	s0 =	sor.u32 s3, s0;
	s1 =	sshll.u32 s1, $0x11  }
0xbc: {  	s0 =	sor.u32 s1, s0  }
0xbd: {  	s0 =	sadd.s32 $0x8F2B, s0  }
0xbe: {  	[sflag:s0] =	ssyncadd.remote.s32 $0x1  }
0xbf: {  	_ =	sfence.sel $0xFFFF  }
0xc0: {  	[dreg:$0x0] =	wrdreg $0xFFFFFFFF;
	(pc) =	sbr.abs _section_cstart, $3  }
0xc1: {  	[dreg:$0x1] =	wrdreg $0xFFFFFFFF  }
0xc2: {  	_ =	task.clear_ibuf [dreg:s7], $0x2FFFF;
	_ =	strace $0x9FFFFFFF  }
0xc3: {  	(tm) =	ssettm $0x7FFFFFFF  }
tec
execute0_lowered:
.L_overlay_start_1:
0x0: {  	(tag) =	ssettag $0x1  }
0x1: {  	s4 =	rddreg [dreg:$0x0];
	s1 =	srdreg.scid  }
0x2: {  	s5 =	rddreg [dreg:$0x1];
	s0 =	stileid.u32  }
0x3: {  	s2 =	rddreg [dreg:$0x2];
	s11 =	simm.s32 $0x2800;
	s14 =	simm.s32 $0x10  }
0x4: {  	s15 =	simm.s32 $0x0;
	s6 =	sand.u32 $0x1, s1;
	s28 =	smul.u32 $0xA00, s0  }
0x5: {  	s3 =	sshrl.u32 s0, $0x3;
	s1 =	rddreg [dreg:$0x3];
	s7 =	smul.u32 $0x2800, s6  }
0x6: {  	s9 =	sshll.u32 s0, $0x7;
	s12 =	sshll.u32 s0, $0x6;
	s8 =	smul.u32 $0x1400, s3  }
0x7: {  	s3 =	simm.s32 $0x0;
	s10 =	sshll.u32 s6, $0x4;
	s24 =	sand.u32 $0x380, s9  }
0x8: {  	s6 =	ssub.s32 $0x2, s6;
	s9 =	simm.s32 $0x2880;
	s12 =	sor.u32 $0x1C01, s12  }
0x9: {  	s25 =	sor.u32 s0, s10;
	[smem:$0x7FF] =	sst s3;
	s29 =	sshrl.u32 s6, $0x1  }
0xa: {  	s31 =	sshrl.u32 s28, $0x2;
	s10 =	simm.s32 $0x80;
	s7 =	sadd.s32 s7, s8  }
0xb: {  	s26 =	smul.u32 $0x500, s25;
	_ =	strace $0x80000047;
	s7 =	sor.u32 s24, s7  }
0xc: {  	s30 =	ssub.s32 s6, s29;
	s8 =	simm.s32 $0x1;
	s7 =	sshrl.u32 s7, $0x3  }
0xd: {  	s4 =	sadd.s32 s4, s26;
	s7 =	sadd.s32 s7, s5;
	s5 =	sadd.s32 s31, s2  }
0xe: {  	v0 =	vimm.f32 $0.0e+00;
	v1 =	vimm.f32 $1.000000000e+00;
	s6 =	sadd.s32 $0x1400, s7;
	s7 =	smax.u32 s30, $0x1;
	s13 =	sshrl.u32 s5, $0x3  }
.LBB2_1:
0xf: {  	[tilespmem:s3], [sflag:$0x1] =	stream.linear.gather [hbm4b:s4+s3], $0x2800, $0x38;
	[tilespmem:$0x2D80] =	vst v63  }
0x10: {  	_ =	swait.ge [sflag:s8], $0x2800  }
0x11: {  	[sflag:s8] =	ssyncset.done $0x0  }
0x12: {  	[sflag:s8] =	ssyncadd.s32 $0xFFFFD800  }
0x13: {  	[tilespmem:$0x2880] =	vst v0  }
0x14: {  	[tilespmem:$0x2890] =	vst v0  }
0x15: {  	[tilespmem:$0x28A0] =	vst v0  }
0x16: {  	[tilespmem:$0x28B0] =	vst v0  }
0x17: {  	[tilespmem:$0x28C0] =	vst v0  }
0x18: {  	[tilespmem:$0x28D0] =	vst v0  }
0x19: {  	[tilespmem:$0x28E0] =	vst v0  }
0x1a: {  	[tilespmem:$0x28F0] =	vst v0  }
0x1b: {  	[tilespmem:$0x2900] =	vst v0  }
0x1c: {  	[tilespmem:$0x2910] =	vst v0  }
0x1d: {  	[tilespmem:$0x2920] =	vst v0  }
0x1e: {  	[tilespmem:$0x2930] =	vst v0  }
0x1f: {  	[tilespmem:$0x2940] =	vst v0  }
0x20: {  	[tilespmem:$0x2950] =	vst v0  }
0x21: {  	[tilespmem:$0x2960] =	vst v0  }
0x22: {  	[tilespmem:$0x2970] =	vst v0  }
0x23: {  	[tilespmem:$0x2980] =	vst v0  }
0x24: {  	[tilespmem:$0x2990] =	vst v0  }
0x25: {  	[tilespmem:$0x29A0] =	vst v0  }
0x26: {  	[tilespmem:$0x29B0] =	vst v0  }
0x27: {  	[tilespmem:$0x29C0] =	vst v0  }
0x28: {  	[tilespmem:$0x29D0] =	vst v0  }
0x29: {  	[tilespmem:$0x29E0] =	vst v0  }
0x2a: {  	[tilespmem:$0x29F0] =	vst v0  }
0x2b: {  	[tilespmem:$0x2A00] =	vst v0  }
0x2c: {  	[tilespmem:$0x2A10] =	vst v0  }
0x2d: {  	[tilespmem:$0x2A20] =	vst v0  }
0x2e: {  	[tilespmem:$0x2A30] =	vst v0  }
0x2f: {  	[tilespmem:$0x2A40] =	vst v0  }
0x30: {  	[tilespmem:$0x2A50] =	vst v0  }
0x31: {  	[tilespmem:$0x2A60] =	vst v0  }
0x32: {  	[tilespmem:$0x2A70] =	vst v0  }
0x33: {  	[tilespmem:$0x2A80] =	vst v0  }
0x34: {  	[tilespmem:$0x2A90] =	vst v0  }
0x35: {  	[tilespmem:$0x2AA0] =	vst v0  }
0x36: {  	[tilespmem:$0x2AB0] =	vst v0  }
0x37: {  	[tilespmem:$0x2AC0] =	vst v0  }
0x38: {  	[tilespmem:$0x2AD0] =	vst v0  }
0x39: {  	[tilespmem:$0x2AE0] =	vst v0  }
0x3a: {  	[tilespmem:$0x2AF0] =	vst v0  }
0x3b: {  	[tilespmem:$0x2800] =	vst v1  }
0x3c: {  	[tilespmem:$0x2810] =	vst v1  }
0x3d: {  	[tilespmem:$0x2820] =	vst v1  }
0x3e: {  	[tilespmem:$0x2830] =	vst v1  }
0x3f: {  	[tilespmem:$0x2840] =	vst v1  }
0x40: {  	[tilespmem:$0x2850] =	vst v1  }
0x41: {  	[tilespmem:$0x2860] =	vst v1  }
0x42: {  	[tilespmem:$0x2870] =	vst v1  }
0x43: {  	[spmem:s5] =	stream.linear.scatter [tilespmem:s9], [sflag:$0x1], $0x280, $0x38;
	[tilespmem:$0x2D80] =	vst v63  }
0x44: {  	_ =	swait.ge [sflag:s8], $0x280  }
0x45: {  	[sflag:s8] =	ssyncset.done $0x0  }
0x46: {  	[sflag:s8] =	ssyncadd.s32 $0xFFFFFD80  }
0x47: {  	s16 =	simm.s32 $0x0;
	[bflag:$0x0] =	sbarrier.arrive $0xFFFF  }
0x48: {  	[spmem:s2] =	stream.indirect.scatter.add.f32 [tilespmem:s11], [sflag:$0x1], $0x1, s16, s10, $0xb8;
	[tilespmem:$0x2D80] =	vst v63  }
0x49: {  	_ =	swait.ge [sflag:s8], $0x80  }
0x4a: {  	s16 =	simm.s32 $0x200;
	[sflag:s8] =	ssyncset.done $0x0  }
.LBB2_2:
0x4b: {  	s17 =	sshra.s32 s16, $0x2;
	[sflag:s8] =	ssyncadd.s32 $0xFFFFFF80;
	p0 =	sne.s32 s16, $0x9E00  }
0x4c: {  	[spmem:s2] =	stream.indirect.scatter.add.f32 [tilespmem:s11], [sflag:$0x1], $0x1, s17, s10, $0xb8;
	[tilespmem:$0x2D80] =	vst v63  }
.Ltmp0:
0x4d: {  	_ = 	snop;
	(pc) =	sbr.rel @p0 .LBB2_2-.Ltmp0, $4  }
0x4e: {  	_ = 	snop  }
0x4f: {  	s16 =	sadd.s32 $0x200, s16  }
0x50: {  	_ =	swait.ge [sflag:s8], $0x80  }
0x51: {  	[sflag:s8] =	ssyncset.done $0x0  }
0x52: {  	s15 =	sadd.s32 $0x1, s15  }
0x53: {  	[sflag:s8] =	ssyncadd.s32 $0xFFFFFF80;
	p0 =	sne.s32 s15, s7  }
.Ltmp1:
0x54: {  	[bflag:$0x0] =	sbarrier.arrive $0xFFFF;
	(pc) =	sbr.rel @p0 .LBB2_1-.Ltmp1, $4  }
0x55: {  	[hbm:s6@s10], [sflag:s12] =	dma.strided [spmem:s13@s14], $0x50, s8, $0x10   }
0x56: {  	_ =	swait.ge [sflag:s8], $0x50  }
0x57: {  	[sflag:s8] =	ssyncset.done $0x0  }
0x58: {  	[sflag:s8] =	ssyncadd.s32 $0xFFFFFFB0  }
0x59: {  	_ =	sfence.sel $0x180000  }
0x5a: {  	[bflag:$0x0] =	sbarrier.arrive $0xFFFF  }
0x5b: {  	p0 =	sne.s32 s0, $0x0;
	_ =	strace $0x90000047  }
0x5c: {  	s0 =	sadd.s32 @!p0 $0x100000, s1;
	[bflag:$0x2] =	sbarrier.arrive $0xFFFF  }
0x5d: {  	[sflag:s0] =	ssyncadd.tile.s32 @!p0 $0x1;
	_ =	shalt  }
.Lfunc_end2:
_tile_overlayer_lowered:
.L_overlay_start_2:
0x5e: {  	(tag) =	ssettag $0x2  }
0x5f: {  	s0 =	rddreg [dreg:$0x0];
	s2 =	stileid.u32  }
0x60: {  	s1 =	rddreg [dreg:$0x1];
	p0 =	sne.s32 s2, $0x0  }
0x61: {  	s3 =	rddreg [dreg:$0x2];
	[bflag:$0x3] =	sbarrier.arrive $0xFFFF;
	s2 =	simm.s32 @!p0 $0x1C01  }
0x62: {  	[timem:s3], [sflag:s2] =	dma.local @!p0 [hbm:s0], s1  }
0x63: {  	s0 =	simm.s32 @!p0 $0x1  }
0x64: {  	_ =	swait.ge @!p0 [sflag:s0], s1  }
0x65: {  	s1 =	ssub.s32 @!p0 $0x0, s1;
	[sflag:s0] =	ssyncset.done @!p0 $0x0  }
0x66: {  	[sflag:s0] =	ssyncadd.s32 @!p0 s1  }
0x67: {  	[bflag:$0x3] =	sbarrier.arrive $0xFFFF  }
0x68: {  	_ =	shalt  }

</sc_bundles>
